<compile_context>
chip_gen: v7x
topology: tpu7x:2x2x1
jax: 0.10.2.dev20260603
libtpu: 0.0.44.dev20260713+nightly
codegen_flags: <defaults>
</compile_context>

<pallas_src>
import functools

import jax
import jax.numpy as jnp
from jax import lax
from jax.experimental import pallas as pl
from jax.experimental.pallas import tpu as pltpu
from jax.experimental.pallas import tpu_sc as plsc

_N = 10000
_E = 160000
_LAT = 128
_H1 = 256
_H2 = 128

def _when(pred, fn):
    if isinstance(pred, bool):
        if pred:
            fn()
    else:
        pl.when(pred)(fn)


_NC, _NS = 2, 16
_NW = _NC * _NS

_NB = 10
_NBLK = _N // _NB
_EBLK = 2000
_EB = _E // _EBLK

_CG = 40
_CS = 80
_ESLAB = _E // 2


def _pack_bf16_pair(lo_f, hi_f):
    lb = lax.bitcast_convert_type(lo_f, jnp.int32)
    hb = lax.bitcast_convert_type(hi_f, jnp.int32)
    lr = (lb + 0x7FFF + ((lb >> 16) & 1)) >> 16
    hr = (hb + 0x7FFF + ((hb >> 16) & 1)) >> 16
    return (lr & jnp.int32(0xFFFF)) | (hr << 16)


def _unpack_bf16_pair(w):
    lo = lax.bitcast_convert_type(w << 16, jnp.float32)
    hi = lax.bitcast_convert_type(w & jnp.int32(-65536), jnp.float32)
    return lo, hi


def _prep_body(x_ref, wen_ref, ben_ref, wb_ref, wc_ref, nodes_ref, s_ref, r_ref):
    nb = jnp.dot(x_ref[...], wen_ref[...], preferred_element_type=jnp.float32)
    nb = nb + ben_ref[...]
    nodes_ref[...] = nb
    s_ref[...] = jnp.dot(nb, wb_ref[...], preferred_element_type=jnp.float32)
    r_ref[...] = jnp.dot(nb, wc_ref[...], preferred_element_type=jnp.float32)


def _prep(x, W_en, b_en, We1b, We1c):
    full = lambda shape: pl.BlockSpec(shape, lambda i: (0, 0))
    return pl.pallas_call(
        _prep_body,
        grid=(_NB,),
        in_specs=[
            pl.BlockSpec((_NBLK, _LAT), lambda i: (i, 0)),
            full((_LAT, _LAT)),
            full((1, _LAT)),
            full((_LAT, _H1)),
            full((_LAT, _H1)),
        ],
        out_specs=[
            pl.BlockSpec((_NBLK, _LAT), lambda i: (i, 0)),
            pl.BlockSpec((_NBLK, _H1), lambda i: (i, 0)),
            pl.BlockSpec((_NBLK, _H1), lambda i: (i, 0)),
        ],
        out_shape=[
            jax.ShapeDtypeStruct((_N, _LAT), jnp.float32),
            jax.ShapeDtypeStruct((_N, _H1), jnp.float32),
            jax.ShapeDtypeStruct((_N, _H1), jnp.float32),
        ],
    )(x, W_en, b_en.reshape(1, _LAT), We1b, We1c)


def _gather_body(s_hbm, r_hbm, snd_hbm, rcv_hbm, gs_hbm, gr_hbm,
                 idxs0_v, idxs1_v, idxr0_v, idxr1_v,
                 bufs0_v, bufs1_v, bufr0_v, bufr1_v,
                 sg0, sg1, sw0, sw1):
    wid = lax.axis_index("s") * _NC + lax.axis_index("c")
    per_w = _E // _NW
    nchunks = per_w // _CG
    base = wid * per_w
    sg = (sg0, sg1)
    sw = (sw0, sw1)
    idxs = (idxs0_v, idxs1_v)
    idxr = (idxr0_v, idxr1_v)
    bufs = (bufs0_v, bufs1_v)
    bufr = (bufr0_v, bufr1_v)

    def launch(slot, off, drain_w):
        def _drain():
            pltpu.make_async_copy(bufs[slot], gs_hbm.at[pl.ds(base, _CG)],
                                  sw[slot]).wait()
            pltpu.make_async_copy(bufr[slot], gr_hbm.at[pl.ds(base, _CG)],
                                  sw[slot]).wait()

        _when(drain_w, _drain)
        pltpu.sync_copy(snd_hbm.at[pl.ds(off, _CG)], idxs[slot])
        pltpu.sync_copy(rcv_hbm.at[pl.ds(off, _CG)], idxr[slot])
        pltpu.async_copy(s_hbm.at[idxs[slot]], bufs[slot], sg[slot])
        pltpu.async_copy(r_hbm.at[idxr[slot]], bufr[slot], sg[slot])

    def finish(slot, off):
        pltpu.make_async_copy(s_hbm.at[idxs[slot]], bufs[slot], sg[slot]).wait()
        pltpu.make_async_copy(r_hbm.at[idxr[slot]], bufr[slot], sg[slot]).wait()
        pltpu.async_copy(bufs[slot], gs_hbm.at[pl.ds(off, _CG)], sw[slot])
        pltpu.async_copy(bufr[slot], gr_hbm.at[pl.ds(off, _CG)], sw[slot])

    launch(0, base, False)

    def pair(i, carry):
        off0 = base + (2 * i) * _CG
        launch(1, off0 + _CG, i > 0)
        finish(0, off0)
        launch(0, off0 + 2 * _CG, True)
        finish(1, off0 + _CG)
        return carry

    lax.fori_loop(0, (nchunks - 1) // 2, pair, 0)
    finish(0, base + (nchunks - 1) * _CG)
    for slot in (0, 1):
        pltpu.make_async_copy(bufs[slot], gs_hbm.at[pl.ds(base, _CG)],
                              sw[slot]).wait()
        pltpu.make_async_copy(bufr[slot], gr_hbm.at[pl.ds(base, _CG)],
                              sw[slot]).wait()


def _gather(S, R, senders, receivers):
    mesh = plsc.VectorSubcoreMesh(core_axis_name="c", subcore_axis_name="s",
                                  num_cores=_NC, num_subcores=_NS)
    kfn = pl.kernel(
        _gather_body,
        out_type=[jax.ShapeDtypeStruct((_E, _H1), jnp.float32),
                  jax.ShapeDtypeStruct((_E, _H1), jnp.float32)],
        mesh=mesh,
        scratch_types=[
            pltpu.VMEM((_CG,), jnp.int32),
            pltpu.VMEM((_CG,), jnp.int32),
            pltpu.VMEM((_CG,), jnp.int32),
            pltpu.VMEM((_CG,), jnp.int32),
            pltpu.VMEM((_CG, _H1), jnp.float32),
            pltpu.VMEM((_CG, _H1), jnp.float32),
            pltpu.VMEM((_CG, _H1), jnp.float32),
            pltpu.VMEM((_CG, _H1), jnp.float32),
            pltpu.SemaphoreType.DMA,
            pltpu.SemaphoreType.DMA,
            pltpu.SemaphoreType.DMA,
            pltpu.SemaphoreType.DMA,
        ],
    )
    return kfn(S, R, senders, receivers)


def _edge_body(gs_ref, gr_ref, ea_ref, wee_ref, bee_ref, we1a_ref, be1_ref,
               we2_ref, be2_ref, out_ref):
    wea = jnp.dot(wee_ref[...], we1a_ref[...], preferred_element_type=jnp.float32)
    bias = jnp.dot(bee_ref[...], we1a_ref[...], preferred_element_type=jnp.float32)
    bias = bias + be1_ref[...]
    h = gs_ref[...] + gr_ref[...]
    h = h + jnp.dot(ea_ref[...], wea, preferred_element_type=jnp.float32)
    h = jnp.maximum(h + bias, 0.0).astype(jnp.bfloat16)
    out_ref[...] = jnp.dot(h, we2_ref[...].astype(jnp.bfloat16),
                           preferred_element_type=jnp.float32) + be2_ref[...]


def _edge_mlp(Gs, Gr, edge_attr, W_ee, b_ee, We1a, be1, We2, be2):
    full = lambda shape: pl.BlockSpec(shape, lambda i: (0, 0))
    return pl.pallas_call(
        _edge_body,
        grid=(_EB,),
        in_specs=[
            pl.BlockSpec((_EBLK, _H1), lambda i: (i, 0)),
            pl.BlockSpec((_EBLK, _H1), lambda i: (i, 0)),
            pl.BlockSpec((_EBLK, 16), lambda i: (i, 0)),
            full((16, _LAT)),
            full((1, _LAT)),
            full((_LAT, _H1)),
            full((1, _H1)),
            full((_H1, _H2)),
            full((1, _H2)),
        ],
        out_specs=pl.BlockSpec((_EBLK, _H2), lambda i: (i, 0)),
        out_shape=jax.ShapeDtypeStruct((_E, _H2), jnp.float32),
    )(Gs, Gr, edge_attr, W_ee, b_ee.reshape(1, _LAT), We1a, be1.reshape(1, _H1),
      We2, be2.reshape(1, _H2))


_NPT = 632
_NPAD = _NS * _NPT


def _scatter_body(en_hbm, idx2_hbm, out_hbm, acc_sh,
                  ebuf0, ebuf1, idx0_v, idx1_v,
                  sl0, sl1, si0, si1, ss0, ss1):
    c = lax.axis_index("c")
    s = lax.axis_index("s")
    ebuf = (ebuf0, ebuf1)
    idxm = (idx0_v, idx1_v)
    slm = (sl0, sl1)
    sim = (si0, si1)
    ssm = (ss0, ss1)

    def zrow(rr, carry):
        for l in range(_H2 // 16):
            ebuf0[rr, pl.ds(l * 16, 16)] = jnp.zeros((16,), jnp.float32)
        return carry

    lax.fori_loop(0, _CS, zrow, 0)
    for k in range(_NPT // _CS):
        pltpu.sync_copy(ebuf0, acc_sh.at[pl.ds(s * _NPT + k * _CS, _CS)])
    rem = _NPT % _CS
    if rem:
        pltpu.sync_copy(ebuf0.at[pl.ds(0, rem)],
                        acc_sh.at[pl.ds(s * _NPT + (_NPT // _CS) * _CS, rem)])
    plsc.subcore_barrier()

    per_tile = _E // _NS
    nchunks = per_tile // _CS
    base = s * per_tile

    def launch(slot, off, drain):
        _when(drain, lambda: pltpu.make_async_copy(
            ebuf[slot], acc_sh.at[idxm[slot]], ssm[slot]).wait())
        pltpu.async_copy(idx2_hbm.at[pl.ds(c * _E + off, _CS)],
                         idxm[slot], sim[slot])
        pltpu.async_copy(en_hbm.at[pl.ds(off, _CS)], ebuf[slot], slm[slot])

    def finish(slot):
        pltpu.make_async_copy(idx2_hbm.at[pl.ds(c * _E + base, _CS)],
                              idxm[slot], sim[slot]).wait()
        pltpu.make_async_copy(en_hbm.at[pl.ds(base, _CS)], ebuf[slot],
                              slm[slot]).wait()
        pltpu.async_copy(ebuf[slot], acc_sh.at[idxm[slot]],
                         ssm[slot], add=True)

    launch(0, base, False)

    def pair(i, carry):
        off0 = base + (2 * i) * _CS
        launch(1, off0 + _CS, i > 0)
        finish(0)
        launch(0, off0 + 2 * _CS, True)
        finish(1)
        return carry

    lax.fori_loop(0, (nchunks - 1) // 2, pair, 0)
    finish(0)
    pltpu.make_async_copy(ebuf0, acc_sh.at[idx0_v], ssm[0]).wait()
    pltpu.make_async_copy(ebuf1, acc_sh.at[idx1_v], ssm[1]).wait()
    plsc.subcore_barrier()
    pltpu.sync_copy(acc_sh.at[pl.ds(s * _NPT, _NPT)],
                    out_hbm.at[c, pl.ds(s * _NPT, _NPT)])


def _scatter(edges_new, idx2):
    mesh = plsc.VectorSubcoreMesh(core_axis_name="c", subcore_axis_name="s",
                                  num_cores=_NC, num_subcores=_NS)
    kfn = pl.kernel(
        _scatter_body,
        out_type=jax.ShapeDtypeStruct((2, _NPAD, _H2), jnp.float32),
        mesh=mesh,
        scratch_types=[
            pltpu.VMEM_SHARED((_NPAD, _H2), jnp.float32),
            pltpu.VMEM((_CS, _H2), jnp.float32),
            pltpu.VMEM((_CS, _H2), jnp.float32),
            pltpu.VMEM((_CS,), jnp.int32),
            pltpu.VMEM((_CS,), jnp.int32),
            pltpu.SemaphoreType.DMA,
            pltpu.SemaphoreType.DMA,
            pltpu.SemaphoreType.DMA,
            pltpu.SemaphoreType.DMA,
            pltpu.SemaphoreType.DMA,
            pltpu.SemaphoreType.DMA,
        ],
    )
    return kfn(edges_new, idx2)


def _node_body(nodes_ref, sa_ref, ra_ref,
               wn1a_ref, wn1b_ref, wn1c_ref, bn1_ref,
               wn2_ref, bn2_ref, wg1a_ref, wg1b_ref, bg1_ref, wg2_ref, bg2_ref,
               wg3_ref, bg3_ref, out_ref, s1_acc, ea_acc):
    i = pl.program_id(0)

    @pl.when(i == 0)
    def _init():
        s1_acc[...] = jnp.zeros_like(s1_acc)
        ea_acc[...] = jnp.zeros_like(ea_acc)

    sa = sa_ref[...]
    h = jnp.dot(nodes_ref[...].astype(jnp.bfloat16),
                wn1a_ref[...].astype(jnp.bfloat16),
                preferred_element_type=jnp.float32)
    h = h + jnp.dot(sa.astype(jnp.bfloat16),
                    wn1b_ref[...].astype(jnp.bfloat16),
                    preferred_element_type=jnp.float32)
    h = h + jnp.dot(ra_ref[...].astype(jnp.bfloat16),
                    wn1c_ref[...].astype(jnp.bfloat16),
                    preferred_element_type=jnp.float32)
    h = jnp.maximum(h + bn1_ref[...], 0.0)
    s1_acc[...] = s1_acc[...] + jnp.sum(h, axis=0, keepdims=True)
    ea_acc[...] = ea_acc[...] + jnp.sum(sa, axis=0, keepdims=True)

    @pl.when(i == _NB - 1)
    def _final():
        node_agg = jnp.dot(s1_acc[...], wn2_ref[...],
                           preferred_element_type=jnp.float32)
        node_agg = node_agg + jnp.float32(_N) * bn2_ref[...]
        edge_agg = ea_acc[...]
        hg = jnp.dot(node_agg, wg1a_ref[...], preferred_element_type=jnp.float32)
        hg = hg + jnp.dot(edge_agg, wg1b_ref[...], preferred_element_type=jnp.float32)
        hg = jnp.maximum(hg + bg1_ref[...], 0.0)
        hg2 = jnp.dot(hg, wg2_ref[...], preferred_element_type=jnp.float32)
        hg2 = jnp.maximum(hg2 + bg2_ref[...], 0.0)
        out_ref[...] = (jnp.dot(hg2, wg3_ref[...], preferred_element_type=jnp.float32)
                        + bg3_ref[...])


def _node_global(nodes, sent_agg, recv_agg, Wn1a, Wn1b, Wn1c, bn1, Wn2, bn2,
                 Wg1a, Wg1b, bg1, Wg2, bg2, Wg3, bg3):
    full = lambda shape: pl.BlockSpec(shape, lambda i: (0, 0))
    return pl.pallas_call(
        _node_body,
        grid=(_NB,),
        in_specs=[
            pl.BlockSpec((_NBLK, _LAT), lambda i: (i, 0)),
            pl.BlockSpec((_NBLK, _H2), lambda i: (i, 0)),
            pl.BlockSpec((_NBLK, _H2), lambda i: (i, 0)),
            full((_LAT, _H1)),
            full((_H2, _H1)),
            full((_H2, _H1)),
            full((1, _H1)),
            full((_H1, _H2)),
            full((1, _H2)),
            full((_H2, _H1)),
            full((_H2, _H1)),
            full((1, _H1)),
            full((_H1, _H2)),
            full((1, _H2)),
            full((_H2, 1)),
            full((1, 1)),
        ],
        out_specs=pl.BlockSpec((1, 1), lambda i: (0, 0)),
        out_shape=jax.ShapeDtypeStruct((1, 1), jnp.float32),
        scratch_shapes=[
            pltpu.VMEM((1, _H1), jnp.float32),
            pltpu.VMEM((1, _H2), jnp.float32),
        ],
    )(nodes, sent_agg, recv_agg, Wn1a, Wn1b, Wn1c, bn1.reshape(1, _H1),
      Wn2, bn2.reshape(1, _H2), Wg1a, Wg1b, bg1.reshape(1, _H1),
      Wg2, bg2.reshape(1, _H2), Wg3, bg3.reshape(1, 1))


def kernel(x, edge_attr, senders, receivers, W_en, b_en, W_ee, b_ee,
           We1, be1, We2, be2, Wn1, bn1, Wn2, bn2,
           Wg1, bg1, Wg2, bg2, Wg3, bg3):
    We1a = We1[:_LAT]
    We1b = We1[_LAT:2 * _LAT]
    We1c = We1[2 * _LAT:3 * _LAT]
    Wn1a = Wn1[:_LAT]
    Wn1b = Wn1[_LAT:2 * _LAT]
    Wn1c = Wn1[2 * _LAT:3 * _LAT]
    Wg1a = Wg1[:_H2]
    Wg1b = Wg1[_H2:2 * _H2]

    nodes, S32, R32 = _prep(x, W_en, b_en, We1b, We1c)
    Gs32, Gr32 = _gather(S32, R32, senders, receivers)
    edges_new = _edge_mlp(Gs32, Gr32, edge_attr, W_ee, b_ee, We1a, be1, We2, be2)
    idx2 = jnp.concatenate([senders, receivers])
    aggs = _scatter(edges_new, idx2)
    out = _node_global(nodes, aggs[0, :_N], aggs[1, :_N], Wn1a, Wn1b, Wn1c, bn1, Wn2, bn2,
                       Wg1a, Wg1b, bg1, Wg2, bg2, Wg3, bg3)
    return out

# --- scband reference (transcript-rebuilt; emitter-appended) ---
"""Pipeline reference for scband-gnn-31284541784354 (READ-ONLY COPY).

The authoritative reference and input builder live on the scoring server;
editing this copy changes nothing except your own understanding.
"""

import jax, jax.numpy as jnp
import numpy as np

N = 10000
E = 160000
D_FEAT = 128
D_EDGE = 16
LATENT = 128
H1 = 256
H2 = 128
NOUT = 1
EDGE_IN = 3 * LATENT + NOUT   # edges, sent nodes, recv nodes, globals
NODE_IN = 3 * LATENT + NOUT   # nodes, sent-agg edges, recv-agg edges, globals
GLOB_IN = 2 * LATENT + NOUT   # agg nodes, agg edges, globals


def setup_inputs(seed: int = 0) -> dict:
    key = jax.random.key(seed)
    ks = jax.random.split(key, 32)

    def rn(k, shape):
        return jax.random.normal(k, shape, dtype=jnp.float32) * 0.05

    inp = {
        "x": jax.random.normal(ks[0], (N, D_FEAT), dtype=jnp.float32),
        "edge_attr": jax.random.normal(ks[1], (E, D_EDGE), dtype=jnp.float32),
        "senders": jax.random.randint(ks[2], (E,), 0, N, dtype=jnp.int32),
        "receivers": jax.random.randint(ks[3], (E,), 0, N, dtype=jnp.int32),
        # node / edge embedders (Dense -> latent)
        "W_en": rn(ks[4], (D_FEAT, LATENT)), "b_en": jnp.zeros((LATENT,), jnp.float32),
        "W_ee": rn(ks[5], (D_EDGE, LATENT)), "b_ee": jnp.zeros((LATENT,), jnp.float32),
        # edge update MLP
        "We1": rn(ks[6], (EDGE_IN, H1)), "be1": jnp.zeros((H1,), jnp.float32),
        "We2": rn(ks[7], (H1, H2)), "be2": jnp.zeros((H2,), jnp.float32),
        # node update MLP
        "Wn1": rn(ks[8], (NODE_IN, H1)), "bn1": jnp.zeros((H1,), jnp.float32),
        "Wn2": rn(ks[9], (H1, H2)), "bn2": jnp.zeros((H2,), jnp.float32),
        # global update MLP (hidden_dims + (num_outputs,))
        "Wg1": rn(ks[10], (GLOB_IN, H1)), "bg1": jnp.zeros((H1,), jnp.float32),
        "Wg2": rn(ks[11], (H1, H2)), "bg2": jnp.zeros((H2,), jnp.float32),
        "Wg3": rn(ks[12], (H2, NOUT)), "bg3": jnp.zeros((NOUT,), jnp.float32),
    }
    return inp


def _mlp2(h, W1, b1, W2, b2):
    h = jax.nn.relu(h @ W1 + b1)
    return h @ W2 + b2


def _mlp3(h, W1, b1, W2, b2, W3, b3):
    h = jax.nn.relu(h @ W1 + b1)
    h = jax.nn.relu(h @ W2 + b2)
    return h @ W3 + b3


def reference(x, edge_attr, senders, receivers,
              W_en, b_en, W_ee, b_ee,
              We1, be1, We2, be2,
              Wn1, bn1, Wn2, bn2,
              Wg1, bg1, Wg2, bg2, Wg3, bg3):
    # graph = graph._replace(globals=zeros([n_graphs, num_outputs])), n_graphs = 1
    g = jnp.zeros((1, NOUT), dtype=jnp.float32)

    # GraphMapFeatures: embed nodes and edges with Dense(latent_dim)
    nodes = x @ W_en + b_en            # [N, LATENT]
    edges = edge_attr @ W_ee + b_ee    # [E, LATENT]

    # ---- jraph.GraphNetwork ----
    # edge update: concat(edges, sent node feats, recv node feats, globals)
    sent_nodes = jnp.take(nodes, senders, axis=0)
    recv_nodes = jnp.take(nodes, receivers, axis=0)
    g_edges = jnp.broadcast_to(g, (E, NOUT))
    e_in = jnp.concatenate([edges, sent_nodes, recv_nodes, g_edges], axis=-1)
    edges_new = _mlp2(e_in, We1, be1, We2, be2)  # [E, H2]

    # node update: concat(nodes, sum of sent edges, sum of received edges, globals)
    sent_agg = jax.ops.segment_sum(edges_new, senders, num_segments=N)
    recv_agg = jax.ops.segment_sum(edges_new, receivers, num_segments=N)
    g_nodes = jnp.broadcast_to(g, (N, NOUT))
    n_in = jnp.concatenate([nodes, sent_agg, recv_agg, g_nodes], axis=-1)
    nodes_new = _mlp2(n_in, Wn1, bn1, Wn2, bn2)  # [N, H2]

    # global update: concat(agg nodes, agg edges, globals) — single graph sums
    node_agg = jnp.sum(nodes_new, axis=0, keepdims=True)  # [1, H2]
    edge_agg = jnp.sum(edges_new, axis=0, keepdims=True)  # [1, H2]
    g_in = jnp.concatenate([node_agg, edge_agg, g], axis=-1)
    globals_new = _mlp3(g_in, Wg1, bg1, Wg2, bg2, Wg3, bg3)  # [1, NOUT]

    return globals_new

if __name__ == "__main__":
    import jax
    _d = setup_inputs()
    print(jax.jit(kernel)(*tuple(_d.values())))

</pallas_src>

<mosaic_0001>
#map = affine_map<(d0, d1) -> (0, 0)>
#map1 = affine_map<(d0, d1) -> (0)>
#map2 = affine_map<(d0, d1) -> (0, 0, 0)>
module attributes {stable_mosaic.version = 14 : i64} {
  func.func @_scatter_body(%arg0: i32, %arg1: i32, %arg2: memref<160000x128xf32, #tpu.memory_space<hbm>>, %arg3: memref<320000xi32, #tpu.memory_space<hbm>>, %arg4: memref<2x10112x128xf32, #tpu.memory_space<hbm>>, %arg5: memref<10112x128xf32, #tpu.memory_space<vmem_shared>>, %arg6: memref<80x128xf32, #tpu.memory_space<vmem>>, %arg7: memref<80x128xf32, #tpu.memory_space<vmem>>, %arg8: memref<80xi32, #tpu.memory_space<vmem>>, %arg9: memref<80xi32, #tpu.memory_space<vmem>>, %arg10: memref<!tpu.dma_semaphore, #tpu.memory_space<semaphore_mem>>, %arg11: memref<!tpu.dma_semaphore, #tpu.memory_space<semaphore_mem>>, %arg12: memref<!tpu.dma_semaphore, #tpu.memory_space<semaphore_mem>>, %arg13: memref<!tpu.dma_semaphore, #tpu.memory_space<semaphore_mem>>, %arg14: memref<!tpu.dma_semaphore, #tpu.memory_space<semaphore_mem>>, %arg15: memref<!tpu.dma_semaphore, #tpu.memory_space<semaphore_mem>>) attributes {dimension_semantics = [#tpu.dimension_semantics<core_parallel>, #tpu.dimension_semantics<subcore_parallel>], iteration_bounds = array<i64: 2, 16>, scalar_prefetch = 0 : i64, scratch_operands = 11 : i64, tpu.core_type = #tpu.core_type<sc_vector_subcore>, window_params = [{transform_indices = #map}, {transform_indices = #map1}, {transform_indices = #map2}]} {
    %scan3A = arith.constant 0 : i32
    %scan3A_0 = arith.constant 0 : i32
    %scan3A_1 = arith.constant 80 : i32
    %scan3A_2 = arith.addi %scan3A_0, %scan3A_1 : i32
    %scan3A_3 = arith.constant 1 : i32
    scf.for %scan3A_73 = %scan3A_0 to %scan3A_2 step %scan3A_3  : i32 {
      %broadcast_in_dim3A = arith.constant 0.000000e+00 : f32
      %broadcast_in_dim3A_74 = vector.broadcast %broadcast_in_dim3A : f32 to vector<16xf32>
      %swap3A = arith.index_cast %scan3A_73 : i32 to index
      %swap3A_75 = arith.constant 0 : index
      %swap3A_76 = tpu.vector_load %arg6[%swap3A, %swap3A_75] {strides = array<i32>} : memref<80x128xf32, #tpu.memory_space<vmem>>, vector<1x16xf32>,
      %swap3A_77 = vector.shape_cast %swap3A_76 : vector<1x16xf32> to vector<16xf32>
      %swap3A_78 = vector.shape_cast %broadcast_in_dim3A_74 : vector<16xf32> to vector<1x16xf32>
      tpu.vector_store %arg6[%swap3A, %swap3A_75], %swap3A_78 {strides = array<i32>} : memref<80x128xf32, #tpu.memory_space<vmem>>, vector<1x16xf32>,
      %broadcast_in_dim3A_79 = arith.constant 0.000000e+00 : f32
      %broadcast_in_dim3A_80 = vector.broadcast %broadcast_in_dim3A_79 : f32 to vector<16xf32>
      %swap3A_81 = arith.index_cast %scan3A_73 : i32 to index
      %swap3A_82 = arith.constant 16 : index
      %swap3A_83 = tpu.vector_load %arg6[%swap3A_81, %swap3A_82] {strides = array<i32>} : memref<80x128xf32, #tpu.memory_space<vmem>>, vector<1x16xf32>,
      %swap3A_84 = vector.shape_cast %swap3A_83 : vector<1x16xf32> to vector<16xf32>
      %swap3A_85 = vector.shape_cast %broadcast_in_dim3A_80 : vector<16xf32> to vector<1x16xf32>
      tpu.vector_store %arg6[%swap3A_81, %swap3A_82], %swap3A_85 {strides = array<i32>} : memref<80x128xf32, #tpu.memory_space<vmem>>, vector<1x16xf32>,
      %broadcast_in_dim3A_86 = arith.constant 0.000000e+00 : f32
      %broadcast_in_dim3A_87 = vector.broadcast %broadcast_in_dim3A_86 : f32 to vector<16xf32>
      %swap3A_88 = arith.index_cast %scan3A_73 : i32 to index
      %swap3A_89 = arith.constant 32 : index
      %swap3A_90 = tpu.vector_load %arg6[%swap3A_88, %swap3A_89] {strides = array<i32>} : memref<80x128xf32, #tpu.memory_space<vmem>>, vector<1x16xf32>,
      %swap3A_91 = vector.shape_cast %swap3A_90 : vector<1x16xf32> to vector<16xf32>
      %swap3A_92 = vector.shape_cast %broadcast_in_dim3A_87 : vector<16xf32> to vector<1x16xf32>
      tpu.vector_store %arg6[%swap3A_88, %swap3A_89], %swap3A_92 {strides = array<i32>} : memref<80x128xf32, #tpu.memory_space<vmem>>, vector<1x16xf32>,
      %broadcast_in_dim3A_93 = arith.constant 0.000000e+00 : f32
      %broadcast_in_dim3A_94 = vector.broadcast %broadcast_in_dim3A_93 : f32 to vector<16xf32>
      %swap3A_95 = arith.index_cast %scan3A_73 : i32 to index
      %swap3A_96 = arith.constant 48 : index
      %swap3A_97 = tpu.vector_load %arg6[%swap3A_95, %swap3A_96] {strides = array<i32>} : memref<80x128xf32, #tpu.memory_space<vmem>>, vector<1x16xf32>,
      %swap3A_98 = vector.shape_cast %swap3A_97 : vector<1x16xf32> to vector<16xf32>
      %swap3A_99 = vector.shape_cast %broadcast_in_dim3A_94 : vector<16xf32> to vector<1x16xf32>
      tpu.vector_store %arg6[%swap3A_95, %swap3A_96], %swap3A_99 {strides = array<i32>} : memref<80x128xf32, #tpu.memory_space<vmem>>, vector<1x16xf32>,
      %broadcast_in_dim3A_100 = arith.constant 0.000000e+00 : f32
      %broadcast_in_dim3A_101 = vector.broadcast %broadcast_in_dim3A_100 : f32 to vector<16xf32>
      %swap3A_102 = arith.index_cast %scan3A_73 : i32 to index
      %swap3A_103 = arith.constant 64 : index
      %swap3A_104 = tpu.vector_load %arg6[%swap3A_102, %swap3A_103] {strides = array<i32>} : memref<80x128xf32, #tpu.memory_space<vmem>>, vector<1x16xf32>,
      %swap3A_105 = vector.shape_cast %swap3A_104 : vector<1x16xf32> to vector<16xf32>
      %swap3A_106 = vector.shape_cast %broadcast_in_dim3A_101 : vector<16xf32> to vector<1x16xf32>
      tpu.vector_store %arg6[%swap3A_102, %swap3A_103], %swap3A_106 {strides = array<i32>} : memref<80x128xf32, #tpu.memory_space<vmem>>, vector<1x16xf32>,
      %broadcast_in_dim3A_107 = arith.constant 0.000000e+00 : f32
      %broadcast_in_dim3A_108 = vector.broadcast %broadcast_in_dim3A_107 : f32 to vector<16xf32>
      %swap3A_109 = arith.index_cast %scan3A_73 : i32 to index
      %swap3A_110 = arith.constant 80 : index
      %swap3A_111 = tpu.vector_load %arg6[%swap3A_109, %swap3A_110] {strides = array<i32>} : memref<80x128xf32, #tpu.memory_space<vmem>>, vector<1x16xf32>,
      %swap3A_112 = vector.shape_cast %swap3A_111 : vector<1x16xf32> to vector<16xf32>
      %swap3A_113 = vector.shape_cast %broadcast_in_dim3A_108 : vector<16xf32> to vector<1x16xf32>
      tpu.vector_store %arg6[%swap3A_109, %swap3A_110], %swap3A_113 {strides = array<i32>} : memref<80x128xf32, #tpu.memory_space<vmem>>, vector<1x16xf32>,
      %broadcast_in_dim3A_114 = arith.constant 0.000000e+00 : f32
      %broadcast_in_dim3A_115 = vector.broadcast %broadcast_in_dim3A_114 : f32 to vector<16xf32>
      %swap3A_116 = arith.index_cast %scan3A_73 : i32 to index
      %swap3A_117 = arith.constant 96 : index
      %swap3A_118 = tpu.vector_load %arg6[%swap3A_116, %swap3A_117] {strides = array<i32>} : memref<80x128xf32, #tpu.memory_space<vmem>>, vector<1x16xf32>,
      %swap3A_119 = vector.shape_cast %swap3A_118 : vector<1x16xf32> to vector<16xf32>
      %swap3A_120 = vector.shape_cast %broadcast_in_dim3A_115 : vector<16xf32> to vector<1x16xf32>
      tpu.vector_store %arg6[%swap3A_116, %swap3A_117], %swap3A_120 {strides = array<i32>} : memref<80x128xf32, #tpu.memory_space<vmem>>, vector<1x16xf32>,
      %broadcast_in_dim3A_121 = arith.constant 0.000000e+00 : f32
      %broadcast_in_dim3A_122 = vector.broadcast %broadcast_in_dim3A_121 : f32 to vector<16xf32>
      %swap3A_123 = arith.index_cast %scan3A_73 : i32 to index
      %swap3A_124 = arith.constant 112 : index
      %swap3A_125 = tpu.vector_load %arg6[%swap3A_123, %swap3A_124] {strides = array<i32>} : memref<80x128xf32, #tpu.memory_space<vmem>>, vector<1x16xf32>,
      %swap3A_126 = vector.shape_cast %swap3A_125 : vector<1x16xf32> to vector<16xf32>
      %swap3A_127 = vector.shape_cast %broadcast_in_dim3A_122 : vector<16xf32> to vector<1x16xf32>
      tpu.vector_store %arg6[%swap3A_123, %swap3A_124], %swap3A_127 {strides = array<i32>} : memref<80x128xf32, #tpu.memory_space<vmem>>, vector<1x16xf32>,
    }
    %scan3A_4 = arith.constant 80 : i32
    %mul3A = arith.constant 632 : i32
    %mul3A_5 = arith.muli %arg1, %mul3A : i32
    %add3A = arith.constant 0 : i32
    %add3A_6 = arith.addi %mul3A_5, %add3A : i32
    "tpu.region"() ({
      %run_scoped3A = tpu.sem_alloc : memref<!tpu.dma_semaphore, #tpu.memory_space<semaphore_mem>>
      %dma_start3A_73 = arith.constant 0 : i32
      %dma_start3A_74 = tpu.memref_slice %arg5[%add3A_6, %dma_start3A_73] : memref<10112x128xf32, #tpu.memory_space<vmem_shared>> -> memref<80x128xf32, #tpu.memory_space<vmem_shared>>
      %dma_start3A_75 = arith.constant 0 : i32
      %dma_start3A_76 = tpu.memref_slice %arg5[%add3A_6, %dma_start3A_75] : memref<10112x128xf32, #tpu.memory_space<vmem_shared>> -> memref<80x128xf32, #tpu.memory_space<vmem_shared>>
      tpu.enqueue_dma source(%arg6 : memref<80x128xf32, #tpu.memory_space<vmem>>) target(%dma_start3A_76 : memref<80x128xf32, #tpu.memory_space<vmem_shared>>) target_semaphore(%run_scoped3A : memref<!tpu.dma_semaphore, #tpu.memory_space<semaphore_mem>>)
      %dma_wait3A_77 = arith.constant 0 : i32
      %dma_wait3A_78 = tpu.memref_slice %arg5[%add3A_6, %dma_wait3A_77] : memref<10112x128xf32, #tpu.memory_space<vmem_shared>> -> memref<80x128xf32, #tpu.memory_space<vmem_shared>>
      %dma_wait3A_79 = arith.constant 0 : i32
      %dma_wait3A_80 = tpu.memref_slice %arg5[%add3A_6, %dma_wait3A_79] : memref<10112x128xf32, #tpu.memory_space<vmem_shared>> -> memref<80x128xf32, #tpu.memory_space<vmem_shared>>
      tpu.wait_dma2 semaphore(%run_scoped3A : memref<!tpu.dma_semaphore, #tpu.memory_space<semaphore_mem>>) src(%arg6 : memref<80x128xf32, #tpu.memory_space<vmem>>) dst(%dma_wait3A_80 : memref<80x128xf32, #tpu.memory_space<vmem_shared>>)
      tpu.yield
    }) : () -> ()
    %mul3A_7 = arith.constant 632 : i32
    %mul3A_8 = arith.muli %arg1, %mul3A_7 : i32
    %add3A_9 = arith.constant 80 : i32
    %add3A_10 = arith.addi %mul3A_8, %add3A_9 : i32
    "tpu.region"() ({
      %run_scoped3A = tpu.sem_alloc : memref<!tpu.dma_semaphore, #tpu.memory_space<semaphore_mem>>
      %dma_start3A_73 = arith.constant 0 : i32
      %dma_start3A_74 = tpu.memref_slice %arg5[%add3A_10, %dma_start3A_73] : memref<10112x128xf32, #tpu.memory_space<vmem_shared>> -> memref<80x128xf32, #tpu.memory_space<vmem_shared>>
      %dma_start3A_75 = arith.constant 0 : i32
      %dma_start3A_76 = tpu.memref_slice %arg5[%add3A_10, %dma_start3A_75] : memref<10112x128xf32, #tpu.memory_space<vmem_shared>> -> memref<80x128xf32, #tpu.memory_space<vmem_shared>>
      tpu.enqueue_dma source(%arg6 : memref<80x128xf32, #tpu.memory_space<vmem>>) target(%dma_start3A_76 : memref<80x128xf32, #tpu.memory_space<vmem_shared>>) target_semaphore(%run_scoped3A : memref<!tpu.dma_semaphore, #tpu.memory_space<semaphore_mem>>)
      %dma_wait3A_77 = arith.constant 0 : i32
      %dma_wait3A_78 = tpu.memref_slice %arg5[%add3A_10, %dma_wait3A_77] : memref<10112x128xf32, #tpu.memory_space<vmem_shared>> -> memref<80x128xf32, #tpu.memory_space<vmem_shared>>
      %dma_wait3A_79 = arith.constant 0 : i32
      %dma_wait3A_80 = tpu.memref_slice %arg5[%add3A_10, %dma_wait3A_79] : memref<10112x128xf32, #tpu.memory_space<vmem_shared>> -> memref<80x128xf32, #tpu.memory_space<vmem_shared>>
      tpu.wait_dma2 semaphore(%run_scoped3A : memref<!tpu.dma_semaphore, #tpu.memory_space<semaphore_mem>>) src(%arg6 : memref<80x128xf32, #tpu.memory_space<vmem>>) dst(%dma_wait3A_80 : memref<80x128xf32, #tpu.memory_space<vmem_shared>>)
      tpu.yield
    }) : () -> ()
    %mul3A_11 = arith.constant 632 : i32
    %mul3A_12 = arith.muli %arg1, %mul3A_11 : i32
    %add3A_13 = arith.constant 160 : i32
    %add3A_14 = arith.addi %mul3A_12, %add3A_13 : i32
    "tpu.region"() ({
      %run_scoped3A = tpu.sem_alloc : memref<!tpu.dma_semaphore, #tpu.memory_space<semaphore_mem>>
      %dma_start3A_73 = arith.constant 0 : i32
      %dma_start3A_74 = tpu.memref_slice %arg5[%add3A_14, %dma_start3A_73] : memref<10112x128xf32, #tpu.memory_space<vmem_shared>> -> memref<80x128xf32, #tpu.memory_space<vmem_shared>>
      %dma_start3A_75 = arith.constant 0 : i32
      %dma_start3A_76 = tpu.memref_slice %arg5[%add3A_14, %dma_start3A_75] : memref<10112x128xf32, #tpu.memory_space<vmem_shared>> -> memref<80x128xf32, #tpu.memory_space<vmem_shared>>
      tpu.enqueue_dma source(%arg6 : memref<80x128xf32, #tpu.memory_space<vmem>>) target(%dma_start3A_76 : memref<80x128xf32, #tpu.memory_space<vmem_shared>>) target_semaphore(%run_scoped3A : memref<!tpu.dma_semaphore, #tpu.memory_space<semaphore_mem>>)
      %dma_wait3A_77 = arith.constant 0 : i32
      %dma_wait3A_78 = tpu.memref_slice %arg5[%add3A_14, %dma_wait3A_77] : memref<10112x128xf32, #tpu.memory_space<vmem_shared>> -> memref<80x128xf32, #tpu.memory_space<vmem_shared>>
      %dma_wait3A_79 = arith.constant 0 : i32
      %dma_wait3A_80 = tpu.memref_slice %arg5[%add3A_14, %dma_wait3A_79] : memref<10112x128xf32, #tpu.memory_space<vmem_shared>> -> memref<80x128xf32, #tpu.memory_space<vmem_shared>>
      tpu.wait_dma2 semaphore(%run_scoped3A : memref<!tpu.dma_semaphore, #tpu.memory_space<semaphore_mem>>) src(%arg6 : memref<80x128xf32, #tpu.memory_space<vmem>>) dst(%dma_wait3A_80 : memref<80x128xf32, #tpu.memory_space<vmem_shared>>)
      tpu.yield
    }) : () -> ()
    %mul3A_15 = arith.constant 632 : i32
    %mul3A_16 = arith.muli %arg1, %mul3A_15 : i32
    %add3A_17 = arith.constant 240 : i32
    %add3A_18 = arith.addi %mul3A_16, %add3A_17 : i32
    "tpu.region"() ({
      %run_scoped3A = tpu.sem_alloc : memref<!tpu.dma_semaphore, #tpu.memory_space<semaphore_mem>>
      %dma_start3A_73 = arith.constant 0 : i32
      %dma_start3A_74 = tpu.memref_slice %arg5[%add3A_18, %dma_start3A_73] : memref<10112x128xf32, #tpu.memory_space<vmem_shared>> -> memref<80x128xf32, #tpu.memory_space<vmem_shared>>
      %dma_start3A_75 = arith.constant 0 : i32
      %dma_start3A_76 = tpu.memref_slice %arg5[%add3A_18, %dma_start3A_75] : memref<10112x128xf32, #tpu.memory_space<vmem_shared>> -> memref<80x128xf32, #tpu.memory_space<vmem_shared>>
      tpu.enqueue_dma source(%arg6 : memref<80x128xf32, #tpu.memory_space<vmem>>) target(%dma_start3A_76 : memref<80x128xf32, #tpu.memory_space<vmem_shared>>) target_semaphore(%run_scoped3A : memref<!tpu.dma_semaphore, #tpu.memory_space<semaphore_mem>>)
      %dma_wait3A_77 = arith.constant 0 : i32
      %dma_wait3A_78 = tpu.memref_slice %arg5[%add3A_18, %dma_wait3A_77] : memref<10112x128xf32, #tpu.memory_space<vmem_shared>> -> memref<80x128xf32, #tpu.memory_space<vmem_shared>>
      %dma_wait3A_79 = arith.constant 0 : i32
      %dma_wait3A_80 = tpu.memref_slice %arg5[%add3A_18, %dma_wait3A_79] : memref<10112x128xf32, #tpu.memory_space<vmem_shared>> -> memref<80x128xf32, #tpu.memory_space<vmem_shared>>
      tpu.wait_dma2 semaphore(%run_scoped3A : memref<!tpu.dma_semaphore, #tpu.memory_space<semaphore_mem>>) src(%arg6 : memref<80x128xf32, #tpu.memory_space<vmem>>) dst(%dma_wait3A_80 : memref<80x128xf32, #tpu.memory_space<vmem_shared>>)
      tpu.yield
    }) : () -> ()
    %mul3A_19 = arith.constant 632 : i32
    %mul3A_20 = arith.muli %arg1, %mul3A_19 : i32
    %add3A_21 = arith.constant 320 : i32
    %add3A_22 = arith.addi %mul3A_20, %add3A_21 : i32
    "tpu.region"() ({
      %run_scoped3A = tpu.sem_alloc : memref<!tpu.dma_semaphore, #tpu.memory_space<semaphore_mem>>
      %dma_start3A_73 = arith.constant 0 : i32
      %dma_start3A_74 = tpu.memref_slice %arg5[%add3A_22, %dma_start3A_73] : memref<10112x128xf32, #tpu.memory_space<vmem_shared>> -> memref<80x128xf32, #tpu.memory_space<vmem_shared>>
      %dma_start3A_75 = arith.constant 0 : i32
      %dma_start3A_76 = tpu.memref_slice %arg5[%add3A_22, %dma_start3A_75] : memref<10112x128xf32, #tpu.memory_space<vmem_shared>> -> memref<80x128xf32, #tpu.memory_space<vmem_shared>>
      tpu.enqueue_dma source(%arg6 : memref<80x128xf32, #tpu.memory_space<vmem>>) target(%dma_start3A_76 : memref<80x128xf32, #tpu.memory_space<vmem_shared>>) target_semaphore(%run_scoped3A : memref<!tpu.dma_semaphore, #tpu.memory_space<semaphore_mem>>)
      %dma_wait3A_77 = arith.constant 0 : i32
      %dma_wait3A_78 = tpu.memref_slice %arg5[%add3A_22, %dma_wait3A_77] : memref<10112x128xf32, #tpu.memory_space<vmem_shared>> -> memref<80x128xf32, #tpu.memory_space<vmem_shared>>
      %dma_wait3A_79 = arith.constant 0 : i32
      %dma_wait3A_80 = tpu.memref_slice %arg5[%add3A_22, %dma_wait3A_79] : memref<10112x128xf32, #tpu.memory_space<vmem_shared>> -> memref<80x128xf32, #tpu.memory_space<vmem_shared>>
      tpu.wait_dma2 semaphore(%run_scoped3A : memref<!tpu.dma_semaphore, #tpu.memory_space<semaphore_mem>>) src(%arg6 : memref<80x128xf32, #tpu.memory_space<vmem>>) dst(%dma_wait3A_80 : memref<80x128xf32, #tpu.memory_space<vmem_shared>>)
      tpu.yield
    }) : () -> ()
    %mul3A_23 = arith.constant 632 : i32
    %mul3A_24 = arith.muli %arg1, %mul3A_23 : i32
    %add3A_25 = arith.constant 400 : i32
    %add3A_26 = arith.addi %mul3A_24, %add3A_25 : i32
    "tpu.region"() ({
      %run_scoped3A = tpu.sem_alloc : memref<!tpu.dma_semaphore, #tpu.memory_space<semaphore_mem>>
      %dma_start3A_73 = arith.constant 0 : i32
      %dma_start3A_74 = tpu.memref_slice %arg5[%add3A_26, %dma_start3A_73] : memref<10112x128xf32, #tpu.memory_space<vmem_shared>> -> memref<80x128xf32, #tpu.memory_space<vmem_shared>>
      %dma_start3A_75 = arith.constant 0 : i32
      %dma_start3A_76 = tpu.memref_slice %arg5[%add3A_26, %dma_start3A_75] : memref<10112x128xf32, #tpu.memory_space<vmem_shared>> -> memref<80x128xf32, #tpu.memory_space<vmem_shared>>
      tpu.enqueue_dma source(%arg6 : memref<80x128xf32, #tpu.memory_space<vmem>>) target(%dma_start3A_76 : memref<80x128xf32, #tpu.memory_space<vmem_shared>>) target_semaphore(%run_scoped3A : memref<!tpu.dma_semaphore, #tpu.memory_space<semaphore_mem>>)
      %dma_wait3A_77 = arith.constant 0 : i32
      %dma_wait3A_78 = tpu.memref_slice %arg5[%add3A_26, %dma_wait3A_77] : memref<10112x128xf32, #tpu.memory_space<vmem_shared>> -> memref<80x128xf32, #tpu.memory_space<vmem_shared>>
      %dma_wait3A_79 = arith.constant 0 : i32
      %dma_wait3A_80 = tpu.memref_slice %arg5[%add3A_26, %dma_wait3A_79] : memref<10112x128xf32, #tpu.memory_space<vmem_shared>> -> memref<80x128xf32, #tpu.memory_space<vmem_shared>>
      tpu.wait_dma2 semaphore(%run_scoped3A : memref<!tpu.dma_semaphore, #tpu.memory_space<semaphore_mem>>) src(%arg6 : memref<80x128xf32, #tpu.memory_space<vmem>>) dst(%dma_wait3A_80 : memref<80x128xf32, #tpu.memory_space<vmem_shared>>)
      tpu.yield
    }) : () -> ()
    %mul3A_27 = arith.constant 632 : i32
    %mul3A_28 = arith.muli %arg1, %mul3A_27 : i32
    %add3A_29 = arith.constant 480 : i32
    %add3A_30 = arith.addi %mul3A_28, %add3A_29 : i32
    "tpu.region"() ({
      %run_scoped3A = tpu.sem_alloc : memref<!tpu.dma_semaphore, #tpu.memory_space<semaphore_mem>>
      %dma_start3A_73 = arith.constant 0 : i32
      %dma_start3A_74 = tpu.memref_slice %arg5[%add3A_30, %dma_start3A_73] : memref<10112x128xf32, #tpu.memory_space<vmem_shared>> -> memref<80x128xf32, #tpu.memory_space<vmem_shared>>
      %dma_start3A_75 = arith.constant 0 : i32
      %dma_start3A_76 = tpu.memref_slice %arg5[%add3A_30, %dma_start3A_75] : memref<10112x128xf32, #tpu.memory_space<vmem_shared>> -> memref<80x128xf32, #tpu.memory_space<vmem_shared>>
      tpu.enqueue_dma source(%arg6 : memref<80x128xf32, #tpu.memory_space<vmem>>) target(%dma_start3A_76 : memref<80x128xf32, #tpu.memory_space<vmem_shared>>) target_semaphore(%run_scoped3A : memref<!tpu.dma_semaphore, #tpu.memory_space<semaphore_mem>>)
      %dma_wait3A_77 = arith.constant 0 : i32
      %dma_wait3A_78 = tpu.memref_slice %arg5[%add3A_30, %dma_wait3A_77] : memref<10112x128xf32, #tpu.memory_space<vmem_shared>> -> memref<80x128xf32, #tpu.memory_space<vmem_shared>>
      %dma_wait3A_79 = arith.constant 0 : i32
      %dma_wait3A_80 = tpu.memref_slice %arg5[%add3A_30, %dma_wait3A_79] : memref<10112x128xf32, #tpu.memory_space<vmem_shared>> -> memref<80x128xf32, #tpu.memory_space<vmem_shared>>
      tpu.wait_dma2 semaphore(%run_scoped3A : memref<!tpu.dma_semaphore, #tpu.memory_space<semaphore_mem>>) src(%arg6 : memref<80x128xf32, #tpu.memory_space<vmem>>) dst(%dma_wait3A_80 : memref<80x128xf32, #tpu.memory_space<vmem_shared>>)
      tpu.yield
    }) : () -> ()
    %mul3A_31 = arith.constant 632 : i32
    %mul3A_32 = arith.muli %arg1, %mul3A_31 : i32
    %add3A_33 = arith.constant 560 : i32
    %add3A_34 = arith.addi %mul3A_32, %add3A_33 : i32
    "tpu.region"() ({
      %run_scoped3A = tpu.sem_alloc : memref<!tpu.dma_semaphore, #tpu.memory_space<semaphore_mem>>
      %dma_start3A_73 = arith.constant 0 : i32
      %dma_start3A_74 = arith.constant 0 : i32
      %dma_start3A_75 = tpu.memref_slice %arg6[%dma_start3A_73, %dma_start3A_74] : memref<80x128xf32, #tpu.memory_space<vmem>> -> memref<72x128xf32, #tpu.memory_space<vmem>>
      %dma_start3A_76 = arith.constant 0 : i32
      %dma_start3A_77 = tpu.memref_slice %arg5[%add3A_34, %dma_start3A_76] : memref<10112x128xf32, #tpu.memory_space<vmem_shared>> -> memref<72x128xf32, #tpu.memory_space<vmem_shared>>
      %dma_start3A_78 = arith.constant 0 : i32
      %dma_start3A_79 = tpu.memref_slice %arg5[%add3A_34, %dma_start3A_78] : memref<10112x128xf32, #tpu.memory_space<vmem_shared>> -> memref<72x128xf32, #tpu.memory_space<vmem_shared>>
      %dma_start3A_80 = arith.constant 0 : i32
      %dma_start3A_81 = arith.constant 0 : i32
      %dma_start3A_82 = tpu.memref_slice %arg6[%dma_start3A_80, %dma_start3A_81] : memref<80x128xf32, #tpu.memory_space<vmem>> -> memref<72x128xf32, #tpu.memory_space<vmem>>
      tpu.enqueue_dma source(%dma_start3A_82 : memref<72x128xf32, #tpu.memory_space<vmem>>) target(%dma_start3A_79 : memref<72x128xf32, #tpu.memory_space<vmem_shared>>) target_semaphore(%run_scoped3A : memref<!tpu.dma_semaphore, #tpu.memory_space<semaphore_mem>>)
      %dma_wait3A_83 = arith.constant 0 : i32
      %dma_wait3A_84 = arith.constant 0 : i32
      %dma_wait3A_85 = tpu.memref_slice %arg6[%dma_wait3A_83, %dma_wait3A_84] : memref<80x128xf32, #tpu.memory_space<vmem>> -> memref<72x128xf32, #tpu.memory_space<vmem>>
      %dma_wait3A_86 = arith.constant 0 : i32
      %dma_wait3A_87 = tpu.memref_slice %arg5[%add3A_34, %dma_wait3A_86] : memref<10112x128xf32, #tpu.memory_space<vmem_shared>> -> memref<72x128xf32, #tpu.memory_space<vmem_shared>>
      %dma_wait3A_88 = arith.constant 0 : i32
      %dma_wait3A_89 = tpu.memref_slice %arg5[%add3A_34, %dma_wait3A_88] : memref<10112x128xf32, #tpu.memory_space<vmem_shared>> -> memref<72x128xf32, #tpu.memory_space<vmem_shared>>
      %dma_wait3A_90 = arith.constant 0 : i32
      %dma_wait3A_91 = arith.constant 0 : i32
      %dma_wait3A_92 = tpu.memref_slice %arg6[%dma_wait3A_90, %dma_wait3A_91] : memref<80x128xf32, #tpu.memory_space<vmem>> -> memref<72x128xf32, #tpu.memory_space<vmem>>
      tpu.wait_dma2 semaphore(%run_scoped3A : memref<!tpu.dma_semaphore, #tpu.memory_space<semaphore_mem>>) src(%dma_wait3A_92 : memref<72x128xf32, #tpu.memory_space<vmem>>) dst(%dma_wait3A_89 : memref<72x128xf32, #tpu.memory_space<vmem_shared>>)
      tpu.yield
    }) : () -> ()
    %barrier3A = arith.constant 0 : index
    tpu.barrier barrier_id(%barrier3A)
    %mul3A_35 = arith.constant 10000 : i32
    %mul3A_36 = arith.muli %arg1, %mul3A_35 : i32
    %mul3A_37 = arith.constant 160000 : i32
    %mul3A_38 = arith.muli %arg0, %mul3A_37 : i32
    %add3A_39 = arith.addi %mul3A_38, %mul3A_36 : i32
    %dma_start3A = tpu.memref_slice %arg3[%add3A_39] : memref<320000xi32, #tpu.memory_space<hbm>> -> memref<80xi32, #tpu.memory_space<hbm>>
    %dma_start3A_40 = tpu.memref_slice %arg3[%add3A_39] : memref<320000xi32, #tpu.memory_space<hbm>> -> memref<80xi32, #tpu.memory_space<hbm>>
    tpu.enqueue_dma source(%dma_start3A_40 : memref<80xi32, #tpu.memory_space<hbm>>) target(%arg8 : memref<80xi32, #tpu.memory_space<vmem>>) target_semaphore(%arg12 : memref<!tpu.dma_semaphore, #tpu.memory_space<semaphore_mem>>)
    %dma_start3A_41 = arith.constant 0 : i32
    %dma_start3A_42 = tpu.memref_slice %arg2[%mul3A_36, %dma_start3A_41] : memref<160000x128xf32, #tpu.memory_space<hbm>> -> memref<80x128xf32, #tpu.memory_space<hbm>>
    %dma_start3A_43 = arith.constant 0 : i32
    %dma_start3A_44 = tpu.memref_slice %arg2[%mul3A_36, %dma_start3A_43] : memref<160000x128xf32, #tpu.memory_space<hbm>> -> memref<80x128xf32, #tpu.memory_space<hbm>>
    tpu.enqueue_dma source(%dma_start3A_44 : memref<80x128xf32, #tpu.memory_space<hbm>>) target(%arg6 : memref<80x128xf32, #tpu.memory_space<vmem>>) target_semaphore(%arg10 : memref<!tpu.dma_semaphore, #tpu.memory_space<semaphore_mem>>)
    %scan3A_45 = arith.constant 0 : i32
    %scan3A_46 = arith.constant 0 : i32
    %scan3A_47 = arith.constant 62 : i32
    %scan3A_48 = arith.addi %scan3A_46, %scan3A_47 : i32
    %scan3A_49 = arith.constant 1 : i32
    scf.for %scan3A_73 = %scan3A_46 to %scan3A_48 step %scan3A_49  : i32 {
      %mul3A_74 = arith.constant 2 : i32
      %mul3A_75 = arith.muli %mul3A_74, %scan3A_73 : i32
      %mul3A_76 = arith.constant 80 : i32
      %mul3A_77 = arith.muli %mul3A_75, %mul3A_76 : i32
      %add3A_78 = arith.addi %mul3A_36, %mul3A_77 : i32
      %add3A_79 = arith.constant 80 : i32
      %add3A_80 = arith.addi %add3A_78, %add3A_79 : i32
      %gt3A = arith.constant 0 : i32
      %gt3A_81 = arith.cmpi sgt, %scan3A_73, %gt3A : i32
      %convert_element_type3A = arith.extui %gt3A_81 : i1 to i32
      %cond3A = arith.constant 0 : i32
      %cond3A_82 = arith.cmpi ne, %convert_element_type3A, %cond3A : i32
      scf.if %cond3A_82 {
        %dma_wait3A_130 = arith.constant 0 : i32
        %dma_wait3A_131 = arith.constant 0 : i32
        %dma_wait3A_132 = tpu.memref_slice %arg5[%dma_wait3A_130, %dma_wait3A_131] : memref<10112x128xf32, #tpu.memory_space<vmem_shared>> -> memref<10112x128xf32, #tpu.memory_space<vmem_shared>>
        tpu.wait_indirect_dma semaphore(%arg15 : memref<!tpu.dma_semaphore, #tpu.memory_space<semaphore_mem>>) src(%arg7 : memref<80x128xf32, #tpu.memory_space<vmem>>) dst(%dma_wait3A_132 : memref<10112x128xf32, #tpu.memory_space<vmem_shared>>)
      } else {
      }
      %mul3A_83 = arith.constant 160000 : i32
      %mul3A_84 = arith.muli %arg0, %mul3A_83 : i32
      %add3A_85 = arith.addi %mul3A_84, %add3A_80 : i32
      %dma_start3A_86 = tpu.memref_slice %arg3[%add3A_85] : memref<320000xi32, #tpu.memory_space<hbm>> -> memref<80xi32, #tpu.memory_space<hbm>>
      %dma_start3A_87 = tpu.memref_slice %arg3[%add3A_85] : memref<320000xi32, #tpu.memory_space<hbm>> -> memref<80xi32, #tpu.memory_space<hbm>>
      tpu.enqueue_dma source(%dma_start3A_87 : memref<80xi32, #tpu.memory_space<hbm>>) target(%arg9 : memref<80xi32, #tpu.memory_space<vmem>>) target_semaphore(%arg13 : memref<!tpu.dma_semaphore, #tpu.memory_space<semaphore_mem>>)
      %dma_start3A_88 = arith.constant 0 : i32
      %dma_start3A_89 = tpu.memref_slice %arg2[%add3A_80, %dma_start3A_88] : memref<160000x128xf32, #tpu.memory_space<hbm>> -> memref<80x128xf32, #tpu.memory_space<hbm>>
      %dma_start3A_90 = arith.constant 0 : i32
      %dma_start3A_91 = tpu.memref_slice %arg2[%add3A_80, %dma_start3A_90] : memref<160000x128xf32, #tpu.memory_space<hbm>> -> memref<80x128xf32, #tpu.memory_space<hbm>>
      tpu.enqueue_dma source(%dma_start3A_91 : memref<80x128xf32, #tpu.memory_space<hbm>>) target(%arg7 : memref<80x128xf32, #tpu.memory_space<vmem>>) target_semaphore(%arg11 : memref<!tpu.dma_semaphore, #tpu.memory_space<semaphore_mem>>)
      %mul3A_92 = arith.constant 160000 : i32
      %mul3A_93 = arith.muli %arg0, %mul3A_92 : i32
      %add3A_94 = arith.addi %mul3A_93, %mul3A_36 : i32
      %dma_wait3A_95 = tpu.memref_slice %arg3[%add3A_94] : memref<320000xi32, #tpu.memory_space<hbm>> -> memref<80xi32, #tpu.memory_space<hbm>>
      %dma_wait3A_96 = tpu.memref_slice %arg3[%add3A_94] : memref<320000xi32, #tpu.memory_space<hbm>> -> memref<80xi32, #tpu.memory_space<hbm>>
      tpu.wait_dma2 semaphore(%arg12 : memref<!tpu.dma_semaphore, #tpu.memory_space<semaphore_mem>>) src(%dma_wait3A_96 : memref<80xi32, #tpu.memory_space<hbm>>) dst(%arg8 : memref<80xi32, #tpu.memory_space<vmem>>)
      %dma_wait3A_97 = arith.constant 0 : i32
      %dma_wait3A_98 = tpu.memref_slice %arg2[%mul3A_36, %dma_wait3A_97] : memref<160000x128xf32, #tpu.memory_space<hbm>> -> memref<80x128xf32, #tpu.memory_space<hbm>>
      %dma_wait3A_99 = arith.constant 0 : i32
      %dma_wait3A_100 = tpu.memref_slice %arg2[%mul3A_36, %dma_wait3A_99] : memref<160000x128xf32, #tpu.memory_space<hbm>> -> memref<80x128xf32, #tpu.memory_space<hbm>>
      tpu.wait_dma2 semaphore(%arg10 : memref<!tpu.dma_semaphore, #tpu.memory_space<semaphore_mem>>) src(%dma_wait3A_100 : memref<80x128xf32, #tpu.memory_space<hbm>>) dst(%arg6 : memref<80x128xf32, #tpu.memory_space<vmem>>)
      %dma_start3A_101 = arith.constant 0 : i32
      %dma_start3A_102 = arith.constant 0 : i32
      %dma_start3A_103 = tpu.memref_slice %arg5[%dma_start3A_101, %dma_start3A_102] : memref<10112x128xf32, #tpu.memory_space<vmem_shared>> -> memref<10112x128xf32, #tpu.memory_space<vmem_shared>>
      tpu.enqueue_indirect_dma source(%arg6 : memref<80x128xf32, #tpu.memory_space<vmem>>) target(%dma_start3A_103 : memref<10112x128xf32, #tpu.memory_space<vmem_shared>>) offsets(%arg8 : memref<80xi32, #tpu.memory_space<vmem>>) semaphore(%arg14 : memref<!tpu.dma_semaphore, #tpu.memory_space<semaphore_mem>>) {add = true}
      %add3A_104 = arith.constant 160 : i32
      %add3A_105 = arith.addi %add3A_78, %add3A_104 : i32
      %dma_wait3A_106 = arith.constant 0 : i32
      %dma_wait3A_107 = arith.constant 0 : i32
      %dma_wait3A_108 = tpu.memref_slice %arg5[%dma_wait3A_106, %dma_wait3A_107] : memref<10112x128xf32, #tpu.memory_space<vmem_shared>> -> memref<10112x128xf32, #tpu.memory_space<vmem_shared>>
      tpu.wait_indirect_dma semaphore(%arg14 : memref<!tpu.dma_semaphore, #tpu.memory_space<semaphore_mem>>) src(%arg6 : memref<80x128xf32, #tpu.memory_space<vmem>>) dst(%dma_wait3A_108 : memref<10112x128xf32, #tpu.memory_space<vmem_shared>>)
      %mul3A_109 = arith.constant 160000 : i32
      %mul3A_110 = arith.muli %arg0, %mul3A_109 : i32
      %add3A_111 = arith.addi %mul3A_110, %add3A_105 : i32
      %dma_start3A_112 = tpu.memref_slice %arg3[%add3A_111] : memref<320000xi32, #tpu.memory_space<hbm>> -> memref<80xi32, #tpu.memory_space<hbm>>
      %dma_start3A_113 = tpu.memref_slice %arg3[%add3A_111] : memref<320000xi32, #tpu.memory_space<hbm>> -> memref<80xi32, #tpu.memory_space<hbm>>
      tpu.enqueue_dma source(%dma_start3A_113 : memref<80xi32, #tpu.memory_space<hbm>>) target(%arg8 : memref<80xi32, #tpu.memory_space<vmem>>) target_semaphore(%arg12 : memref<!tpu.dma_semaphore, #tpu.memory_space<semaphore_mem>>)
      %dma_start3A_114 = arith.constant 0 : i32
      %dma_start3A_115 = tpu.memref_slice %arg2[%add3A_105, %dma_start3A_114] : memref<160000x128xf32, #tpu.memory_space<hbm>> -> memref<80x128xf32, #tpu.memory_space<hbm>>
      %dma_start3A_116 = arith.constant 0 : i32
      %dma_start3A_117 = tpu.memref_slice %arg2[%add3A_105, %dma_start3A_116] : memref<160000x128xf32, #tpu.memory_space<hbm>> -> memref<80x128xf32, #tpu.memory_space<hbm>>
      tpu.enqueue_dma source(%dma_start3A_117 : memref<80x128xf32, #tpu.memory_space<hbm>>) target(%arg6 : memref<80x128xf32, #tpu.memory_space<vmem>>) target_semaphore(%arg10 : memref<!tpu.dma_semaphore, #tpu.memory_space<semaphore_mem>>)
      %mul3A_118 = arith.constant 160000 : i32
      %mul3A_119 = arith.muli %arg0, %mul3A_118 : i32
      %add3A_120 = arith.addi %mul3A_119, %mul3A_36 : i32
      %dma_wait3A_121 = tpu.memref_slice %arg3[%add3A_120] : memref<320000xi32, #tpu.memory_space<hbm>> -> memref<80xi32, #tpu.memory_space<hbm>>
      %dma_wait3A_122 = tpu.memref_slice %arg3[%add3A_120] : memref<320000xi32, #tpu.memory_space<hbm>> -> memref<80xi32, #tpu.memory_space<hbm>>
      tpu.wait_dma2 semaphore(%arg13 : memref<!tpu.dma_semaphore, #tpu.memory_space<semaphore_mem>>) src(%dma_wait3A_122 : memref<80xi32, #tpu.memory_space<hbm>>) dst(%arg9 : memref<80xi32, #tpu.memory_space<vmem>>)
      %dma_wait3A_123 = arith.constant 0 : i32
      %dma_wait3A_124 = tpu.memref_slice %arg2[%mul3A_36, %dma_wait3A_123] : memref<160000x128xf32, #tpu.memory_space<hbm>> -> memref<80x128xf32, #tpu.memory_space<hbm>>
      %dma_wait3A_125 = arith.constant 0 : i32
      %dma_wait3A_126 = tpu.memref_slice %arg2[%mul3A_36, %dma_wait3A_125] : memref<160000x128xf32, #tpu.memory_space<hbm>> -> memref<80x128xf32, #tpu.memory_space<hbm>>
      tpu.wait_dma2 semaphore(%arg11 : memref<!tpu.dma_semaphore, #tpu.memory_space<semaphore_mem>>) src(%dma_wait3A_126 : memref<80x128xf32, #tpu.memory_space<hbm>>) dst(%arg7 : memref<80x128xf32, #tpu.memory_space<vmem>>)
      %dma_start3A_127 = arith.constant 0 : i32
      %dma_start3A_128 = arith.constant 0 : i32
      %dma_start3A_129 = tpu.memref_slice %arg5[%dma_start3A_127, %dma_start3A_128] : memref<10112x128xf32, #tpu.memory_space<vmem_shared>> -> memref<10112x128xf32, #tpu.memory_space<vmem_shared>>
      tpu.enqueue_indirect_dma source(%arg7 : memref<80x128xf32, #tpu.memory_space<vmem>>) target(%dma_start3A_129 : memref<10112x128xf32, #tpu.memory_space<vmem_shared>>) offsets(%arg9 : memref<80xi32, #tpu.memory_space<vmem>>) semaphore(%arg15 : memref<!tpu.dma_semaphore, #tpu.memory_space<semaphore_mem>>) {add = true}
    }
    %scan3A_50 = arith.constant 62 : i32
    %mul3A_51 = arith.constant 160000 : i32
    %mul3A_52 = arith.muli %arg0, %mul3A_51 : i32
    %add3A_53 = arith.addi %mul3A_52, %mul3A_36 : i32
    %dma_wait3A = tpu.memref_slice %arg3[%add3A_53] : memref<320000xi32, #tpu.memory_space<hbm>> -> memref<80xi32, #tpu.memory_space<hbm>>
    %dma_wait3A_54 = tpu.memref_slice %arg3[%add3A_53] : memref<320000xi32, #tpu.memory_space<hbm>> -> memref<80xi32, #tpu.memory_space<hbm>>
    tpu.wait_dma2 semaphore(%arg12 : memref<!tpu.dma_semaphore, #tpu.memory_space<semaphore_mem>>) src(%dma_wait3A_54 : memref<80xi32, #tpu.memory_space<hbm>>) dst(%arg8 : memref<80xi32, #tpu.memory_space<vmem>>)
    %dma_wait3A_55 = arith.constant 0 : i32
    %dma_wait3A_56 = tpu.memref_slice %arg2[%mul3A_36, %dma_wait3A_55] : memref<160000x128xf32, #tpu.memory_space<hbm>> -> memref<80x128xf32, #tpu.memory_space<hbm>>
    %dma_wait3A_57 = arith.constant 0 : i32
    %dma_wait3A_58 = tpu.memref_slice %arg2[%mul3A_36, %dma_wait3A_57] : memref<160000x128xf32, #tpu.memory_space<hbm>> -> memref<80x128xf32, #tpu.memory_space<hbm>>
    tpu.wait_dma2 semaphore(%arg10 : memref<!tpu.dma_semaphore, #tpu.memory_space<semaphore_mem>>) src(%dma_wait3A_58 : memref<80x128xf32, #tpu.memory_space<hbm>>) dst(%arg6 : memref<80x128xf32, #tpu.memory_space<vmem>>)
    %dma_start3A_59 = arith.constant 0 : i32
    %dma_start3A_60 = arith.constant 0 : i32
    %dma_start3A_61 = tpu.memref_slice %arg5[%dma_start3A_59, %dma_start3A_60] : memref<10112x128xf32, #tpu.memory_space<vmem_shared>> -> memref<10112x128xf32, #tpu.memory_space<vmem_shared>>
    tpu.enqueue_indirect_dma source(%arg6 : memref<80x128xf32, #tpu.memory_space<vmem>>) target(%dma_start3A_61 : memref<10112x128xf32, #tpu.memory_space<vmem_shared>>) offsets(%arg8 : memref<80xi32, #tpu.memory_space<vmem>>) semaphore(%arg14 : memref<!tpu.dma_semaphore, #tpu.memory_space<semaphore_mem>>) {add = true}
    %dma_wait3A_62 = arith.constant 0 : i32
    %dma_wait3A_63 = arith.constant 0 : i32
    %dma_wait3A_64 = tpu.memref_slice %arg5[%dma_wait3A_62, %dma_wait3A_63] : memref<10112x128xf32, #tpu.memory_space<vmem_shared>> -> memref<10112x128xf32, #tpu.memory_space<vmem_shared>>
    tpu.wait_indirect_dma semaphore(%arg14 : memref<!tpu.dma_semaphore, #tpu.memory_space<semaphore_mem>>) src(%arg6 : memref<80x128xf32, #tpu.memory_space<vmem>>) dst(%dma_wait3A_64 : memref<10112x128xf32, #tpu.memory_space<vmem_shared>>)
    %dma_wait3A_65 = arith.constant 0 : i32
    %dma_wait3A_66 = arith.constant 0 : i32
    %dma_wait3A_67 = tpu.memref_slice %arg5[%dma_wait3A_65, %dma_wait3A_66] : memref<10112x128xf32, #tpu.memory_space<vmem_shared>> -> memref<10112x128xf32, #tpu.memory_space<vmem_shared>>
    tpu.wait_indirect_dma semaphore(%arg15 : memref<!tpu.dma_semaphore, #tpu.memory_space<semaphore_mem>>) src(%arg7 : memref<80x128xf32, #tpu.memory_space<vmem>>) dst(%dma_wait3A_67 : memref<10112x128xf32, #tpu.memory_space<vmem_shared>>)
    %barrier3A_68 = arith.constant 0 : index
    tpu.barrier barrier_id(%barrier3A_68)
    %mul3A_69 = arith.constant 632 : i32
    %mul3A_70 = arith.muli %arg1, %mul3A_69 : i32
    %mul3A_71 = arith.constant 632 : i32
    %mul3A_72 = arith.muli %arg1, %mul3A_71 : i32
    "tpu.region"() ({
      %run_scoped3A = tpu.sem_alloc : memref<!tpu.dma_semaphore, #tpu.memory_space<semaphore_mem>>
      %dma_start3A_73 = arith.constant 0 : i32
      %dma_start3A_74 = tpu.memref_slice %arg4[%arg0, %mul3A_72, %dma_start3A_73] : memref<2x10112x128xf32, #tpu.memory_space<hbm>> -> memref<1x632x128xf32, #tpu.memory_space<hbm>>
      %dma_start3A_75 = tpu.memref_squeeze %dma_start3A_74 : memref<1x632x128xf32, #tpu.memory_space<hbm>> -> memref<632x128xf32, #tpu.memory_space<hbm>>
      %dma_start3A_76 = arith.constant 0 : i32
      %dma_start3A_77 = tpu.memref_slice %arg5[%mul3A_70, %dma_start3A_76] : memref<10112x128xf32, #tpu.memory_space<vmem_shared>> -> memref<632x128xf32, #tpu.memory_space<vmem_shared>>
      tpu.enqueue_dma source(%dma_start3A_77 : memref<632x128xf32, #tpu.memory_space<vmem_shared>>) target(%dma_start3A_75 : memref<632x128xf32, #tpu.memory_space<hbm>>) target_semaphore(%run_scoped3A : memref<!tpu.dma_semaphore, #tpu.memory_space<semaphore_mem>>)
      %dma_wait3A_78 = arith.constant 0 : i32
      %dma_wait3A_79 = tpu.memref_slice %arg4[%arg0, %mul3A_72, %dma_wait3A_78] : memref<2x10112x128xf32, #tpu.memory_space<hbm>> -> memref<1x632x128xf32, #tpu.memory_space<hbm>>
      %dma_wait3A_80 = tpu.memref_squeeze %dma_wait3A_79 : memref<1x632x128xf32, #tpu.memory_space<hbm>> -> memref<632x128xf32, #tpu.memory_space<hbm>>
      %dma_wait3A_81 = arith.constant 0 : i32
      %dma_wait3A_82 = tpu.memref_slice %arg5[%mul3A_70, %dma_wait3A_81] : memref<10112x128xf32, #tpu.memory_space<vmem_shared>> -> memref<632x128xf32, #tpu.memory_space<vmem_shared>>
      tpu.wait_dma2 semaphore(%run_scoped3A : memref<!tpu.dma_semaphore, #tpu.memory_space<semaphore_mem>>) src(%dma_wait3A_82 : memref<632x128xf32, #tpu.memory_space<vmem_shared>>) dst(%dma_wait3A_80 : memref<632x128xf32, #tpu.memory_space<hbm>>)
      tpu.yield
    }) : () -> ()
    return
  }
}

#map = affine_map<(d0, d1) -> (0, 0)>
#map1 = affine_map<(d0, d1) -> (0)>
module attributes {stable_mosaic.version = 14 : i64} {
  func.func @_gather_body(%arg0: i32, %arg1: i32, %arg2: memref<10000x256xf32, #tpu.memory_space<hbm>>, %arg3: memref<10000x256xf32, #tpu.memory_space<hbm>>, %arg4: memref<160000xi32, #tpu.memory_space<hbm>>, %arg5: memref<160000xi32, #tpu.memory_space<hbm>>, %arg6: memref<160000x256xf32, #tpu.memory_space<hbm>>, %arg7: memref<160000x256xf32, #tpu.memory_space<hbm>>, %arg8: memref<40xi32, #tpu.memory_space<vmem>>, %arg9: memref<40xi32, #tpu.memory_space<vmem>>, %arg10: memref<40xi32, #tpu.memory_space<vmem>>, %arg11: memref<40xi32, #tpu.memory_space<vmem>>, %arg12: memref<40x256xf32, #tpu.memory_space<vmem>>, %arg13: memref<40x256xf32, #tpu.memory_space<vmem>>, %arg14: memref<40x256xf32, #tpu.memory_space<vmem>>, %arg15: memref<40x256xf32, #tpu.memory_space<vmem>>, %arg16: memref<!tpu.dma_semaphore, #tpu.memory_space<semaphore_mem>>, %arg17: memref<!tpu.dma_semaphore, #tpu.memory_space<semaphore_mem>>, %arg18: memref<!tpu.dma_semaphore, #tpu.memory_space<semaphore_mem>>, %arg19: memref<!tpu.dma_semaphore, #tpu.memory_space<semaphore_mem>>) attributes {dimension_semantics = [#tpu.dimension_semantics<core_parallel>, #tpu.dimension_semantics<subcore_parallel>], iteration_bounds = array<i64: 2, 16>, scalar_prefetch = 0 : i64, scratch_operands = 12 : i64, tpu.core_type = #tpu.core_type<sc_vector_subcore>, window_params = [{transform_indices = #map}, {transform_indices = #map}, {transform_indices = #map1}, {transform_indices = #map1}, {transform_indices = #map}, {transform_indices = #map}]} {
    %mul3A = arith.constant 2 : i32
    %mul3A_0 = arith.muli %arg1, %mul3A : i32
    %add3A = arith.addi %mul3A_0, %arg0 : i32
    %mul3A_1 = arith.constant 5000 : i32
    %mul3A_2 = arith.muli %add3A, %mul3A_1 : i32
    "tpu.region"() ({
      %run_scoped3A = tpu.sem_alloc : memref<!tpu.dma_semaphore, #tpu.memory_space<semaphore_mem>>
      %dma_start3A_44 = tpu.memref_slice %arg4[%mul3A_2] : memref<160000xi32, #tpu.memory_space<hbm>> -> memref<40xi32, #tpu.memory_space<hbm>>
      %dma_start3A_45 = tpu.memref_slice %arg4[%mul3A_2] : memref<160000xi32, #tpu.memory_space<hbm>> -> memref<40xi32, #tpu.memory_space<hbm>>
      tpu.enqueue_dma source(%dma_start3A_45 : memref<40xi32, #tpu.memory_space<hbm>>) target(%arg8 : memref<40xi32, #tpu.memory_space<vmem>>) target_semaphore(%run_scoped3A : memref<!tpu.dma_semaphore, #tpu.memory_space<semaphore_mem>>)
      %dma_wait3A_46 = tpu.memref_slice %arg4[%mul3A_2] : memref<160000xi32, #tpu.memory_space<hbm>> -> memref<40xi32, #tpu.memory_space<hbm>>
      %dma_wait3A_47 = tpu.memref_slice %arg4[%mul3A_2] : memref<160000xi32, #tpu.memory_space<hbm>> -> memref<40xi32, #tpu.memory_space<hbm>>
      tpu.wait_dma2 semaphore(%run_scoped3A : memref<!tpu.dma_semaphore, #tpu.memory_space<semaphore_mem>>) src(%dma_wait3A_47 : memref<40xi32, #tpu.memory_space<hbm>>) dst(%arg8 : memref<40xi32, #tpu.memory_space<vmem>>)
      tpu.yield
    }) : () -> ()
    "tpu.region"() ({
      %run_scoped3A = tpu.sem_alloc : memref<!tpu.dma_semaphore, #tpu.memory_space<semaphore_mem>>
      %dma_start3A_44 = tpu.memref_slice %arg5[%mul3A_2] : memref<160000xi32, #tpu.memory_space<hbm>> -> memref<40xi32, #tpu.memory_space<hbm>>
      %dma_start3A_45 = tpu.memref_slice %arg5[%mul3A_2] : memref<160000xi32, #tpu.memory_space<hbm>> -> memref<40xi32, #tpu.memory_space<hbm>>
      tpu.enqueue_dma source(%dma_start3A_45 : memref<40xi32, #tpu.memory_space<hbm>>) target(%arg10 : memref<40xi32, #tpu.memory_space<vmem>>) target_semaphore(%run_scoped3A : memref<!tpu.dma_semaphore, #tpu.memory_space<semaphore_mem>>)
      %dma_wait3A_46 = tpu.memref_slice %arg5[%mul3A_2] : memref<160000xi32, #tpu.memory_space<hbm>> -> memref<40xi32, #tpu.memory_space<hbm>>
      %dma_wait3A_47 = tpu.memref_slice %arg5[%mul3A_2] : memref<160000xi32, #tpu.memory_space<hbm>> -> memref<40xi32, #tpu.memory_space<hbm>>
      tpu.wait_dma2 semaphore(%run_scoped3A : memref<!tpu.dma_semaphore, #tpu.memory_space<semaphore_mem>>) src(%dma_wait3A_47 : memref<40xi32, #tpu.memory_space<hbm>>) dst(%arg10 : memref<40xi32, #tpu.memory_space<vmem>>)
      tpu.yield
    }) : () -> ()
    %dma_start3A = arith.constant 0 : i32
    %dma_start3A_3 = arith.constant 0 : i32
    %dma_start3A_4 = tpu.memref_slice %arg2[%dma_start3A, %dma_start3A_3] : memref<10000x256xf32, #tpu.memory_space<hbm>> -> memref<10000x256xf32, #tpu.memory_space<hbm>>
    tpu.enqueue_indirect_dma source(%dma_start3A_4 : memref<10000x256xf32, #tpu.memory_space<hbm>>) target(%arg12 : memref<40x256xf32, #tpu.memory_space<vmem>>) offsets(%arg8 : memref<40xi32, #tpu.memory_space<vmem>>) semaphore(%arg16 : memref<!tpu.dma_semaphore, #tpu.memory_space<semaphore_mem>>)
    %dma_start3A_5 = arith.constant 0 : i32
    %dma_start3A_6 = arith.constant 0 : i32
    %dma_start3A_7 = tpu.memref_slice %arg3[%dma_start3A_5, %dma_start3A_6] : memref<10000x256xf32, #tpu.memory_space<hbm>> -> memref<10000x256xf32, #tpu.memory_space<hbm>>
    tpu.enqueue_indirect_dma source(%dma_start3A_7 : memref<10000x256xf32, #tpu.memory_space<hbm>>) target(%arg14 : memref<40x256xf32, #tpu.memory_space<vmem>>) offsets(%arg10 : memref<40xi32, #tpu.memory_space<vmem>>) semaphore(%arg16 : memref<!tpu.dma_semaphore, #tpu.memory_space<semaphore_mem>>)
    %scan3A = arith.constant 0 : i32
    %scan3A_8 = arith.constant 0 : i32
    %scan3A_9 = arith.constant 62 : i32
    %scan3A_10 = arith.addi %scan3A_8, %scan3A_9 : i32
    %scan3A_11 = arith.constant 1 : i32
    scf.for %scan3A_44 = %scan3A_8 to %scan3A_10 step %scan3A_11  : i32 {
      %mul3A_45 = arith.constant 2 : i32
      %mul3A_46 = arith.muli %mul3A_45, %scan3A_44 : i32
      %mul3A_47 = arith.constant 40 : i32
      %mul3A_48 = arith.muli %mul3A_46, %mul3A_47 : i32
      %add3A_49 = arith.addi %mul3A_2, %mul3A_48 : i32
      %add3A_50 = arith.constant 40 : i32
      %add3A_51 = arith.addi %add3A_49, %add3A_50 : i32
      %gt3A = arith.constant 0 : i32
      %gt3A_52 = arith.cmpi sgt, %scan3A_44, %gt3A : i32
      %convert_element_type3A = arith.extui %gt3A_52 : i1 to i32
      %cond3A = arith.constant 0 : i32
      %cond3A_53 = arith.cmpi ne, %convert_element_type3A, %cond3A : i32
      scf.if %cond3A_53 {
        %dma_wait3A_106 = arith.constant 0 : i32
        %dma_wait3A_107 = tpu.memref_slice %arg6[%mul3A_2, %dma_wait3A_106] : memref<160000x256xf32, #tpu.memory_space<hbm>> -> memref<40x256xf32, #tpu.memory_space<hbm>>
        %dma_wait3A_108 = arith.constant 0 : i32
        %dma_wait3A_109 = tpu.memref_slice %arg6[%mul3A_2, %dma_wait3A_108] : memref<160000x256xf32, #tpu.memory_space<hbm>> -> memref<40x256xf32, #tpu.memory_space<hbm>>
        tpu.wait_dma2 semaphore(%arg19 : memref<!tpu.dma_semaphore, #tpu.memory_space<semaphore_mem>>) src(%arg13 : memref<40x256xf32, #tpu.memory_space<vmem>>) dst(%dma_wait3A_109 : memref<40x256xf32, #tpu.memory_space<hbm>>)
        %dma_wait3A_110 = arith.constant 0 : i32
        %dma_wait3A_111 = tpu.memref_slice %arg7[%mul3A_2, %dma_wait3A_110] : memref<160000x256xf32, #tpu.memory_space<hbm>> -> memref<40x256xf32, #tpu.memory_space<hbm>>
        %dma_wait3A_112 = arith.constant 0 : i32
        %dma_wait3A_113 = tpu.memref_slice %arg7[%mul3A_2, %dma_wait3A_112] : memref<160000x256xf32, #tpu.memory_space<hbm>> -> memref<40x256xf32, #tpu.memory_space<hbm>>
        tpu.wait_dma2 semaphore(%arg19 : memref<!tpu.dma_semaphore, #tpu.memory_space<semaphore_mem>>) src(%arg15 : memref<40x256xf32, #tpu.memory_space<vmem>>) dst(%dma_wait3A_113 : memref<40x256xf32, #tpu.memory_space<hbm>>)
      } else {
      }
      "tpu.region"() ({
        %run_scoped3A = tpu.sem_alloc : memref<!tpu.dma_semaphore, #tpu.memory_space<semaphore_mem>>
        %dma_start3A_106 = tpu.memref_slice %arg4[%add3A_51] : memref<160000xi32, #tpu.memory_space<hbm>> -> memref<40xi32, #tpu.memory_space<hbm>>
        %dma_start3A_107 = tpu.memref_slice %arg4[%add3A_51] : memref<160000xi32, #tpu.memory_space<hbm>> -> memref<40xi32, #tpu.memory_space<hbm>>
        tpu.enqueue_dma source(%dma_start3A_107 : memref<40xi32, #tpu.memory_space<hbm>>) target(%arg9 : memref<40xi32, #tpu.memory_space<vmem>>) target_semaphore(%run_scoped3A : memref<!tpu.dma_semaphore, #tpu.memory_space<semaphore_mem>>)
        %dma_wait3A_108 = tpu.memref_slice %arg4[%add3A_51] : memref<160000xi32, #tpu.memory_space<hbm>> -> memref<40xi32, #tpu.memory_space<hbm>>
        %dma_wait3A_109 = tpu.memref_slice %arg4[%add3A_51] : memref<160000xi32, #tpu.memory_space<hbm>> -> memref<40xi32, #tpu.memory_space<hbm>>
        tpu.wait_dma2 semaphore(%run_scoped3A : memref<!tpu.dma_semaphore, #tpu.memory_space<semaphore_mem>>) src(%dma_wait3A_109 : memref<40xi32, #tpu.memory_space<hbm>>) dst(%arg9 : memref<40xi32, #tpu.memory_space<vmem>>)
        tpu.yield
      }) : () -> ()
      "tpu.region"() ({
        %run_scoped3A = tpu.sem_alloc : memref<!tpu.dma_semaphore, #tpu.memory_space<semaphore_mem>>
        %dma_start3A_106 = tpu.memref_slice %arg5[%add3A_51] : memref<160000xi32, #tpu.memory_space<hbm>> -> memref<40xi32, #tpu.memory_space<hbm>>
        %dma_start3A_107 = tpu.memref_slice %arg5[%add3A_51] : memref<160000xi32, #tpu.memory_space<hbm>> -> memref<40xi32, #tpu.memory_space<hbm>>
        tpu.enqueue_dma source(%dma_start3A_107 : memref<40xi32, #tpu.memory_space<hbm>>) target(%arg11 : memref<40xi32, #tpu.memory_space<vmem>>) target_semaphore(%run_scoped3A : memref<!tpu.dma_semaphore, #tpu.memory_space<semaphore_mem>>)
        %dma_wait3A_108 = tpu.memref_slice %arg5[%add3A_51] : memref<160000xi32, #tpu.memory_space<hbm>> -> memref<40xi32, #tpu.memory_space<hbm>>
        %dma_wait3A_109 = tpu.memref_slice %arg5[%add3A_51] : memref<160000xi32, #tpu.memory_space<hbm>> -> memref<40xi32, #tpu.memory_space<hbm>>
        tpu.wait_dma2 semaphore(%run_scoped3A : memref<!tpu.dma_semaphore, #tpu.memory_space<semaphore_mem>>) src(%dma_wait3A_109 : memref<40xi32, #tpu.memory_space<hbm>>) dst(%arg11 : memref<40xi32, #tpu.memory_space<vmem>>)
        tpu.yield
      }) : () -> ()
      %dma_start3A_54 = arith.constant 0 : i32
      %dma_start3A_55 = arith.constant 0 : i32
      %dma_start3A_56 = tpu.memref_slice %arg2[%dma_start3A_54, %dma_start3A_55] : memref<10000x256xf32, #tpu.memory_space<hbm>> -> memref<10000x256xf32, #tpu.memory_space<hbm>>
      tpu.enqueue_indirect_dma source(%dma_start3A_56 : memref<10000x256xf32, #tpu.memory_space<hbm>>) target(%arg13 : memref<40x256xf32, #tpu.memory_space<vmem>>) offsets(%arg9 : memref<40xi32, #tpu.memory_space<vmem>>) semaphore(%arg17 : memref<!tpu.dma_semaphore, #tpu.memory_space<semaphore_mem>>)
      %dma_start3A_57 = arith.constant 0 : i32
      %dma_start3A_58 = arith.constant 0 : i32
      %dma_start3A_59 = tpu.memref_slice %arg3[%dma_start3A_57, %dma_start3A_58] : memref<10000x256xf32, #tpu.memory_space<hbm>> -> memref<10000x256xf32, #tpu.memory_space<hbm>>
      tpu.enqueue_indirect_dma source(%dma_start3A_59 : memref<10000x256xf32, #tpu.memory_space<hbm>>) target(%arg15 : memref<40x256xf32, #tpu.memory_space<vmem>>) offsets(%arg11 : memref<40xi32, #tpu.memory_space<vmem>>) semaphore(%arg17 : memref<!tpu.dma_semaphore, #tpu.memory_space<semaphore_mem>>)
      %dma_wait3A_60 = arith.constant 0 : i32
      %dma_wait3A_61 = arith.constant 0 : i32
      %dma_wait3A_62 = tpu.memref_slice %arg2[%dma_wait3A_60, %dma_wait3A_61] : memref<10000x256xf32, #tpu.memory_space<hbm>> -> memref<10000x256xf32, #tpu.memory_space<hbm>>
      tpu.wait_indirect_dma semaphore(%arg16 : memref<!tpu.dma_semaphore, #tpu.memory_space<semaphore_mem>>) src(%dma_wait3A_62 : memref<10000x256xf32, #tpu.memory_space<hbm>>) dst(%arg12 : memref<40x256xf32, #tpu.memory_space<vmem>>)
      %dma_wait3A_63 = arith.constant 0 : i32
      %dma_wait3A_64 = arith.constant 0 : i32
      %dma_wait3A_65 = tpu.memref_slice %arg3[%dma_wait3A_63, %dma_wait3A_64] : memref<10000x256xf32, #tpu.memory_space<hbm>> -> memref<10000x256xf32, #tpu.memory_space<hbm>>
      tpu.wait_indirect_dma semaphore(%arg16 : memref<!tpu.dma_semaphore, #tpu.memory_space<semaphore_mem>>) src(%dma_wait3A_65 : memref<10000x256xf32, #tpu.memory_space<hbm>>) dst(%arg14 : memref<40x256xf32, #tpu.memory_space<vmem>>)
      %dma_start3A_66 = arith.constant 0 : i32
      %dma_start3A_67 = tpu.memref_slice %arg6[%add3A_49, %dma_start3A_66] : memref<160000x256xf32, #tpu.memory_space<hbm>> -> memref<40x256xf32, #tpu.memory_space<hbm>>
      %dma_start3A_68 = arith.constant 0 : i32
      %dma_start3A_69 = tpu.memref_slice %arg6[%add3A_49, %dma_start3A_68] : memref<160000x256xf32, #tpu.memory_space<hbm>> -> memref<40x256xf32, #tpu.memory_space<hbm>>
      tpu.enqueue_dma source(%arg12 : memref<40x256xf32, #tpu.memory_space<vmem>>) target(%dma_start3A_69 : memref<40x256xf32, #tpu.memory_space<hbm>>) target_semaphore(%arg18 : memref<!tpu.dma_semaphore, #tpu.memory_space<semaphore_mem>>)
      %dma_start3A_70 = arith.constant 0 : i32
      %dma_start3A_71 = tpu.memref_slice %arg7[%add3A_49, %dma_start3A_70] : memref<160000x256xf32, #tpu.memory_space<hbm>> -> memref<40x256xf32, #tpu.memory_space<hbm>>
      %dma_start3A_72 = arith.constant 0 : i32
      %dma_start3A_73 = tpu.memref_slice %arg7[%add3A_49, %dma_start3A_72] : memref<160000x256xf32, #tpu.memory_space<hbm>> -> memref<40x256xf32, #tpu.memory_space<hbm>>
      tpu.enqueue_dma source(%arg14 : memref<40x256xf32, #tpu.memory_space<vmem>>) target(%dma_start3A_73 : memref<40x256xf32, #tpu.memory_space<hbm>>) target_semaphore(%arg18 : memref<!tpu.dma_semaphore, #tpu.memory_space<semaphore_mem>>)
      %add3A_74 = arith.constant 80 : i32
      %add3A_75 = arith.addi %add3A_49, %add3A_74 : i32
      %dma_wait3A_76 = arith.constant 0 : i32
      %dma_wait3A_77 = tpu.memref_slice %arg6[%mul3A_2, %dma_wait3A_76] : memref<160000x256xf32, #tpu.memory_space<hbm>> -> memref<40x256xf32, #tpu.memory_space<hbm>>
      %dma_wait3A_78 = arith.constant 0 : i32
      %dma_wait3A_79 = tpu.memref_slice %arg6[%mul3A_2, %dma_wait3A_78] : memref<160000x256xf32, #tpu.memory_space<hbm>> -> memref<40x256xf32, #tpu.memory_space<hbm>>
      tpu.wait_dma2 semaphore(%arg18 : memref<!tpu.dma_semaphore, #tpu.memory_space<semaphore_mem>>) src(%arg12 : memref<40x256xf32, #tpu.memory_space<vmem>>) dst(%dma_wait3A_79 : memref<40x256xf32, #tpu.memory_space<hbm>>)
      %dma_wait3A_80 = arith.constant 0 : i32
      %dma_wait3A_81 = tpu.memref_slice %arg7[%mul3A_2, %dma_wait3A_80] : memref<160000x256xf32, #tpu.memory_space<hbm>> -> memref<40x256xf32, #tpu.memory_space<hbm>>
      %dma_wait3A_82 = arith.constant 0 : i32
      %dma_wait3A_83 = tpu.memref_slice %arg7[%mul3A_2, %dma_wait3A_82] : memref<160000x256xf32, #tpu.memory_space<hbm>> -> memref<40x256xf32, #tpu.memory_space<hbm>>
      tpu.wait_dma2 semaphore(%arg18 : memref<!tpu.dma_semaphore, #tpu.memory_space<semaphore_mem>>) src(%arg14 : memref<40x256xf32, #tpu.memory_space<vmem>>) dst(%dma_wait3A_83 : memref<40x256xf32, #tpu.memory_space<hbm>>)
      "tpu.region"() ({
        %run_scoped3A = tpu.sem_alloc : memref<!tpu.dma_semaphore, #tpu.memory_space<semaphore_mem>>
        %dma_start3A_106 = tpu.memref_slice %arg4[%add3A_75] : memref<160000xi32, #tpu.memory_space<hbm>> -> memref<40xi32, #tpu.memory_space<hbm>>
        %dma_start3A_107 = tpu.memref_slice %arg4[%add3A_75] : memref<160000xi32, #tpu.memory_space<hbm>> -> memref<40xi32, #tpu.memory_space<hbm>>
        tpu.enqueue_dma source(%dma_start3A_107 : memref<40xi32, #tpu.memory_space<hbm>>) target(%arg8 : memref<40xi32, #tpu.memory_space<vmem>>) target_semaphore(%run_scoped3A : memref<!tpu.dma_semaphore, #tpu.memory_space<semaphore_mem>>)
        %dma_wait3A_108 = tpu.memref_slice %arg4[%add3A_75] : memref<160000xi32, #tpu.memory_space<hbm>> -> memref<40xi32, #tpu.memory_space<hbm>>
        %dma_wait3A_109 = tpu.memref_slice %arg4[%add3A_75] : memref<160000xi32, #tpu.memory_space<hbm>> -> memref<40xi32, #tpu.memory_space<hbm>>
        tpu.wait_dma2 semaphore(%run_scoped3A : memref<!tpu.dma_semaphore, #tpu.memory_space<semaphore_mem>>) src(%dma_wait3A_109 : memref<40xi32, #tpu.memory_space<hbm>>) dst(%arg8 : memref<40xi32, #tpu.memory_space<vmem>>)
        tpu.yield
      }) : () -> ()
      "tpu.region"() ({
        %run_scoped3A = tpu.sem_alloc : memref<!tpu.dma_semaphore, #tpu.memory_space<semaphore_mem>>
        %dma_start3A_106 = tpu.memref_slice %arg5[%add3A_75] : memref<160000xi32, #tpu.memory_space<hbm>> -> memref<40xi32, #tpu.memory_space<hbm>>
        %dma_start3A_107 = tpu.memref_slice %arg5[%add3A_75] : memref<160000xi32, #tpu.memory_space<hbm>> -> memref<40xi32, #tpu.memory_space<hbm>>
        tpu.enqueue_dma source(%dma_start3A_107 : memref<40xi32, #tpu.memory_space<hbm>>) target(%arg10 : memref<40xi32, #tpu.memory_space<vmem>>) target_semaphore(%run_scoped3A : memref<!tpu.dma_semaphore, #tpu.memory_space<semaphore_mem>>)
        %dma_wait3A_108 = tpu.memref_slice %arg5[%add3A_75] : memref<160000xi32, #tpu.memory_space<hbm>> -> memref<40xi32, #tpu.memory_space<hbm>>
        %dma_wait3A_109 = tpu.memref_slice %arg5[%add3A_75] : memref<160000xi32, #tpu.memory_space<hbm>> -> memref<40xi32, #tpu.memory_space<hbm>>
        tpu.wait_dma2 semaphore(%run_scoped3A : memref<!tpu.dma_semaphore, #tpu.memory_space<semaphore_mem>>) src(%dma_wait3A_109 : memref<40xi32, #tpu.memory_space<hbm>>) dst(%arg10 : memref<40xi32, #tpu.memory_space<vmem>>)
        tpu.yield
      }) : () -> ()
      %dma_start3A_84 = arith.constant 0 : i32
      %dma_start3A_85 = arith.constant 0 : i32
      %dma_start3A_86 = tpu.memref_slice %arg2[%dma_start3A_84, %dma_start3A_85] : memref<10000x256xf32, #tpu.memory_space<hbm>> -> memref<10000x256xf32, #tpu.memory_space<hbm>>
      tpu.enqueue_indirect_dma source(%dma_start3A_86 : memref<10000x256xf32, #tpu.memory_space<hbm>>) target(%arg12 : memref<40x256xf32, #tpu.memory_space<vmem>>) offsets(%arg8 : memref<40xi32, #tpu.memory_space<vmem>>) semaphore(%arg16 : memref<!tpu.dma_semaphore, #tpu.memory_space<semaphore_mem>>)
      %dma_start3A_87 = arith.constant 0 : i32
      %dma_start3A_88 = arith.constant 0 : i32
      %dma_start3A_89 = tpu.memref_slice %arg3[%dma_start3A_87, %dma_start3A_88] : memref<10000x256xf32, #tpu.memory_space<hbm>> -> memref<10000x256xf32, #tpu.memory_space<hbm>>
      tpu.enqueue_indirect_dma source(%dma_start3A_89 : memref<10000x256xf32, #tpu.memory_space<hbm>>) target(%arg14 : memref<40x256xf32, #tpu.memory_space<vmem>>) offsets(%arg10 : memref<40xi32, #tpu.memory_space<vmem>>) semaphore(%arg16 : memref<!tpu.dma_semaphore, #tpu.memory_space<semaphore_mem>>)
      %add3A_90 = arith.constant 40 : i32
      %add3A_91 = arith.addi %add3A_49, %add3A_90 : i32
      %dma_wait3A_92 = arith.constant 0 : i32
      %dma_wait3A_93 = arith.constant 0 : i32
      %dma_wait3A_94 = tpu.memref_slice %arg2[%dma_wait3A_92, %dma_wait3A_93] : memref<10000x256xf32, #tpu.memory_space<hbm>> -> memref<10000x256xf32, #tpu.memory_space<hbm>>
      tpu.wait_indirect_dma semaphore(%arg17 : memref<!tpu.dma_semaphore, #tpu.memory_space<semaphore_mem>>) src(%dma_wait3A_94 : memref<10000x256xf32, #tpu.memory_space<hbm>>) dst(%arg13 : memref<40x256xf32, #tpu.memory_space<vmem>>)
      %dma_wait3A_95 = arith.constant 0 : i32
      %dma_wait3A_96 = arith.constant 0 : i32
      %dma_wait3A_97 = tpu.memref_slice %arg3[%dma_wait3A_95, %dma_wait3A_96] : memref<10000x256xf32, #tpu.memory_space<hbm>> -> memref<10000x256xf32, #tpu.memory_space<hbm>>
      tpu.wait_indirect_dma semaphore(%arg17 : memref<!tpu.dma_semaphore, #tpu.memory_space<semaphore_mem>>) src(%dma_wait3A_97 : memref<10000x256xf32, #tpu.memory_space<hbm>>) dst(%arg15 : memref<40x256xf32, #tpu.memory_space<vmem>>)
      %dma_start3A_98 = arith.constant 0 : i32
      %dma_start3A_99 = tpu.memref_slice %arg6[%add3A_91, %dma_start3A_98] : memref<160000x256xf32, #tpu.memory_space<hbm>> -> memref<40x256xf32, #tpu.memory_space<hbm>>
      %dma_start3A_100 = arith.constant 0 : i32
      %dma_start3A_101 = tpu.memref_slice %arg6[%add3A_91, %dma_start3A_100] : memref<160000x256xf32, #tpu.memory_space<hbm>> -> memref<40x256xf32, #tpu.memory_space<hbm>>
      tpu.enqueue_dma source(%arg13 : memref<40x256xf32, #tpu.memory_space<vmem>>) target(%dma_start3A_101 : memref<40x256xf32, #tpu.memory_space<hbm>>) target_semaphore(%arg19 : memref<!tpu.dma_semaphore, #tpu.memory_space<semaphore_mem>>)
      %dma_start3A_102 = arith.constant 0 : i32
      %dma_start3A_103 = tpu.memref_slice %arg7[%add3A_91, %dma_start3A_102] : memref<160000x256xf32, #tpu.memory_space<hbm>> -> memref<40x256xf32, #tpu.memory_space<hbm>>
      %dma_start3A_104 = arith.constant 0 : i32
      %dma_start3A_105 = tpu.memref_slice %arg7[%add3A_91, %dma_start3A_104] : memref<160000x256xf32, #tpu.memory_space<hbm>> -> memref<40x256xf32, #tpu.memory_space<hbm>>
      tpu.enqueue_dma source(%arg15 : memref<40x256xf32, #tpu.memory_space<vmem>>) target(%dma_start3A_105 : memref<40x256xf32, #tpu.memory_space<hbm>>) target_semaphore(%arg19 : memref<!tpu.dma_semaphore, #tpu.memory_space<semaphore_mem>>)
    }
    %scan3A_12 = arith.constant 62 : i32
    %add3A_13 = arith.constant 4960 : i32
    %add3A_14 = arith.addi %mul3A_2, %add3A_13 : i32
    %dma_wait3A = arith.constant 0 : i32
    %dma_wait3A_15 = arith.constant 0 : i32
    %dma_wait3A_16 = tpu.memref_slice %arg2[%dma_wait3A, %dma_wait3A_15] : memref<10000x256xf32, #tpu.memory_space<hbm>> -> memref<10000x256xf32, #tpu.memory_space<hbm>>
    tpu.wait_indirect_dma semaphore(%arg16 : memref<!tpu.dma_semaphore, #tpu.memory_space<semaphore_mem>>) src(%dma_wait3A_16 : memref<10000x256xf32, #tpu.memory_space<hbm>>) dst(%arg12 : memref<40x256xf32, #tpu.memory_space<vmem>>)
    %dma_wait3A_17 = arith.constant 0 : i32
    %dma_wait3A_18 = arith.constant 0 : i32
    %dma_wait3A_19 = tpu.memref_slice %arg3[%dma_wait3A_17, %dma_wait3A_18] : memref<10000x256xf32, #tpu.memory_space<hbm>> -> memref<10000x256xf32, #tpu.memory_space<hbm>>
    tpu.wait_indirect_dma semaphore(%arg16 : memref<!tpu.dma_semaphore, #tpu.memory_space<semaphore_mem>>) src(%dma_wait3A_19 : memref<10000x256xf32, #tpu.memory_space<hbm>>) dst(%arg14 : memref<40x256xf32, #tpu.memory_space<vmem>>)
    %dma_start3A_20 = arith.constant 0 : i32
    %dma_start3A_21 = tpu.memref_slice %arg6[%add3A_14, %dma_start3A_20] : memref<160000x256xf32, #tpu.memory_space<hbm>> -> memref<40x256xf32, #tpu.memory_space<hbm>>
    %dma_start3A_22 = arith.constant 0 : i32
    %dma_start3A_23 = tpu.memref_slice %arg6[%add3A_14, %dma_start3A_22] : memref<160000x256xf32, #tpu.memory_space<hbm>> -> memref<40x256xf32, #tpu.memory_space<hbm>>
    tpu.enqueue_dma source(%arg12 : memref<40x256xf32, #tpu.memory_space<vmem>>) target(%dma_start3A_23 : memref<40x256xf32, #tpu.memory_space<hbm>>) target_semaphore(%arg18 : memref<!tpu.dma_semaphore, #tpu.memory_space<semaphore_mem>>)
    %dma_start3A_24 = arith.constant 0 : i32
    %dma_start3A_25 = tpu.memref_slice %arg7[%add3A_14, %dma_start3A_24] : memref<160000x256xf32, #tpu.memory_space<hbm>> -> memref<40x256xf32, #tpu.memory_space<hbm>>
    %dma_start3A_26 = arith.constant 0 : i32
    %dma_start3A_27 = tpu.memref_slice %arg7[%add3A_14, %dma_start3A_26] : memref<160000x256xf32, #tpu.memory_space<hbm>> -> memref<40x256xf32, #tpu.memory_space<hbm>>
    tpu.enqueue_dma source(%arg14 : memref<40x256xf32, #tpu.memory_space<vmem>>) target(%dma_start3A_27 : memref<40x256xf32, #tpu.memory_space<hbm>>) target_semaphore(%arg18 : memref<!tpu.dma_semaphore, #tpu.memory_space<semaphore_mem>>)
    %dma_wait3A_28 = arith.constant 0 : i32
    %dma_wait3A_29 = tpu.memref_slice %arg6[%mul3A_2, %dma_wait3A_28] : memref<160000x256xf32, #tpu.memory_space<hbm>> -> memref<40x256xf32, #tpu.memory_space<hbm>>
    %dma_wait3A_30 = arith.constant 0 : i32
    %dma_wait3A_31 = tpu.memref_slice %arg6[%mul3A_2, %dma_wait3A_30] : memref<160000x256xf32, #tpu.memory_space<hbm>> -> memref<40x256xf32, #tpu.memory_space<hbm>>
    tpu.wait_dma2 semaphore(%arg18 : memref<!tpu.dma_semaphore, #tpu.memory_space<semaphore_mem>>) src(%arg12 : memref<40x256xf32, #tpu.memory_space<vmem>>) dst(%dma_wait3A_31 : memref<40x256xf32, #tpu.memory_space<hbm>>)
    %dma_wait3A_32 = arith.constant 0 : i32
    %dma_wait3A_33 = tpu.memref_slice %arg7[%mul3A_2, %dma_wait3A_32] : memref<160000x256xf32, #tpu.memory_space<hbm>> -> memref<40x256xf32, #tpu.memory_space<hbm>>
    %dma_wait3A_34 = arith.constant 0 : i32
    %dma_wait3A_35 = tpu.memref_slice %arg7[%mul3A_2, %dma_wait3A_34] : memref<160000x256xf32, #tpu.memory_space<hbm>> -> memref<40x256xf32, #tpu.memory_space<hbm>>
    tpu.wait_dma2 semaphore(%arg18 : memref<!tpu.dma_semaphore, #tpu.memory_space<semaphore_mem>>) src(%arg14 : memref<40x256xf32, #tpu.memory_space<vmem>>) dst(%dma_wait3A_35 : memref<40x256xf32, #tpu.memory_space<hbm>>)
    %dma_wait3A_36 = arith.constant 0 : i32
    %dma_wait3A_37 = tpu.memref_slice %arg6[%mul3A_2, %dma_wait3A_36] : memref<160000x256xf32, #tpu.memory_space<hbm>> -> memref<40x256xf32, #tpu.memory_space<hbm>>
    %dma_wait3A_38 = arith.constant 0 : i32
    %dma_wait3A_39 = tpu.memref_slice %arg6[%mul3A_2, %dma_wait3A_38] : memref<160000x256xf32, #tpu.memory_space<hbm>> -> memref<40x256xf32, #tpu.memory_space<hbm>>
    tpu.wait_dma2 semaphore(%arg19 : memref<!tpu.dma_semaphore, #tpu.memory_space<semaphore_mem>>) src(%arg13 : memref<40x256xf32, #tpu.memory_space<vmem>>) dst(%dma_wait3A_39 : memref<40x256xf32, #tpu.memory_space<hbm>>)
    %dma_wait3A_40 = arith.constant 0 : i32
    %dma_wait3A_41 = tpu.memref_slice %arg7[%mul3A_2, %dma_wait3A_40] : memref<160000x256xf32, #tpu.memory_space<hbm>> -> memref<40x256xf32, #tpu.memory_space<hbm>>
    %dma_wait3A_42 = arith.constant 0 : i32
    %dma_wait3A_43 = tpu.memref_slice %arg7[%mul3A_2, %dma_wait3A_42] : memref<160000x256xf32, #tpu.memory_space<hbm>> -> memref<40x256xf32, #tpu.memory_space<hbm>>
    tpu.wait_dma2 semaphore(%arg19 : memref<!tpu.dma_semaphore, #tpu.memory_space<semaphore_mem>>) src(%arg15 : memref<40x256xf32, #tpu.memory_space<vmem>>) dst(%dma_wait3A_43 : memref<40x256xf32, #tpu.memory_space<hbm>>)
    return
  }
}

module attributes {stable_mosaic.version = 14 : i64} {
  func.func @_prep_body(%arg0: i32, %arg1: memref<1000x128xf32, #tpu.memory_space<vmem>>, %arg2: memref<128x128xf32, #tpu.memory_space<vmem>>, %arg3: memref<1x128xf32, #tpu.memory_space<vmem>>, %arg4: memref<128x256xf32, #tpu.memory_space<vmem>>, %arg5: memref<128x256xf32, #tpu.memory_space<vmem>>, %arg6: memref<1000x128xf32, #tpu.memory_space<vmem>>, %arg7: memref<1000x256xf32, #tpu.memory_space<vmem>>, %arg8: memref<1000x256xf32, #tpu.memory_space<vmem>>) attributes {dimension_semantics = [#tpu.dimension_semantics<arbitrary>], iteration_bounds = array<i64: 10>, scalar_prefetch = 0 : i64, scratch_operands = 0 : i64, tpu.core_type = #tpu.core_type<tc>, window_params = [{transform_indices = @transform_0, window_bounds = array<i64: 1000, 128>}, {pipeline_mode = #tpu.pipeline_mode<synchronous>, transform_indices = @transform_1, window_bounds = array<i64: 128, 128>}, {pipeline_mode = #tpu.pipeline_mode<synchronous>, transform_indices = @transform_2, window_bounds = array<i64: 1, 128>}, {pipeline_mode = #tpu.pipeline_mode<synchronous>, transform_indices = @transform_3, window_bounds = array<i64: 128, 256>}, {pipeline_mode = #tpu.pipeline_mode<synchronous>, transform_indices = @transform_4, window_bounds = array<i64: 128, 256>}, {transform_indices = @transform_5, window_bounds = array<i64: 1000, 128>}, {transform_indices = @transform_6, window_bounds = array<i64: 1000, 256>}, {transform_indices = @transform_7, window_bounds = array<i64: 1000, 256>}]} {
    %get3A = arith.constant 0 : index
    %get3A_0 = arith.constant 0 : index
    %get3A_1 = vector.load %arg1[%get3A, %get3A_0] : memref<1000x128xf32, #tpu.memory_space<vmem>>, vector<1000x128xf32>
    %get3A_2 = arith.constant 0 : index
    %get3A_3 = arith.constant 0 : index
    %get3A_4 = vector.load %arg2[%get3A_2, %get3A_3] : memref<128x128xf32, #tpu.memory_space<vmem>>, vector<128x128xf32>
    %dot_general3A = arith.constant dense<0.000000e+00> : vector<1000x128xf32>
    %dot_general3A_5 = tpu.matmul %get3A_1, %get3A_4, %dot_general3A {dimension_numbers = #tpu.dot_dimension_numbers<[1], [0], [0], [1], [0, 0, 1, 1], [], []>, transpose_lhs_hint = false} : vector<1000x128xf32>, vector<128x128xf32>, vector<1000x128xf32> -> vector<1000x128xf32>
    %get3A_6 = arith.constant 0 : index
    %get3A_7 = arith.constant 0 : index
    %get3A_8 = vector.load %arg3[%get3A_6, %get3A_7] : memref<1x128xf32, #tpu.memory_space<vmem>>, vector<1x128xf32>
    %add3A = vector.broadcast %get3A_8 : vector<1x128xf32> to vector<1000x128xf32>
    %add3A_9 = arith.addf %dot_general3A_5, %add3A : vector<1000x128xf32>
    %swap3A = arith.constant 0 : index
    %swap3A_10 = arith.constant 0 : index
    %swap3A_11 = vector.load %arg6[%swap3A, %swap3A_10] : memref<1000x128xf32, #tpu.memory_space<vmem>>, vector<1000x128xf32>
    tpu.vector_store %arg6[%swap3A, %swap3A_10], %add3A_9 {strides = array<i32>} : memref<1000x128xf32, #tpu.memory_space<vmem>>, vector<1000x128xf32>,
    %get3A_12 = arith.constant 0 : index
    %get3A_13 = arith.constant 0 : index
    %get3A_14 = vector.load %arg4[%get3A_12, %get3A_13] : memref<128x256xf32, #tpu.memory_space<vmem>>, vector<128x256xf32>
    %dot_general3A_15 = arith.constant dense<0.000000e+00> : vector<1000x256xf32>
    %dot_general3A_16 = tpu.matmul %add3A_9, %get3A_14, %dot_general3A_15 {dimension_numbers = #tpu.dot_dimension_numbers<[1], [0], [0], [1], [0, 0, 1, 1], [], []>, transpose_lhs_hint = false} : vector<1000x128xf32>, vector<128x256xf32>, vector<1000x256xf32> -> vector<1000x256xf32>
    %swap3A_17 = arith.constant 0 : index
    %swap3A_18 = arith.constant 0 : index
    %swap3A_19 = vector.load %arg7[%swap3A_17, %swap3A_18] : memref<1000x256xf32, #tpu.memory_space<vmem>>, vector<1000x256xf32>
    tpu.vector_store %arg7[%swap3A_17, %swap3A_18], %dot_general3A_16 {strides = array<i32>} : memref<1000x256xf32, #tpu.memory_space<vmem>>, vector<1000x256xf32>,
    %get3A_20 = arith.constant 0 : index
    %get3A_21 = arith.constant 0 : index
    %get3A_22 = vector.load %arg5[%get3A_20, %get3A_21] : memref<128x256xf32, #tpu.memory_space<vmem>>, vector<128x256xf32>
    %dot_general3A_23 = arith.constant dense<0.000000e+00> : vector<1000x256xf32>
    %dot_general3A_24 = tpu.matmul %add3A_9, %get3A_22, %dot_general3A_23 {dimension_numbers = #tpu.dot_dimension_numbers<[1], [0], [0], [1], [0, 0, 1, 1], [], []>, transpose_lhs_hint = false} : vector<1000x128xf32>, vector<128x256xf32>, vector<1000x256xf32> -> vector<1000x256xf32>
    %swap3A_25 = arith.constant 0 : index
    %swap3A_26 = arith.constant 0 : index
    %swap3A_27 = vector.load %arg8[%swap3A_25, %swap3A_26] : memref<1000x256xf32, #tpu.memory_space<vmem>>, vector<1000x256xf32>
    tpu.vector_store %arg8[%swap3A_25, %swap3A_26], %dot_general3A_24 {strides = array<i32>} : memref<1000x256xf32, #tpu.memory_space<vmem>>, vector<1000x256xf32>,
    return
  }
  func.func @transform_0(%arg0: i32) -> (i32, i32) {
    %c0_i32 = arith.constant 0 : i32
    %c0_i32_0 = arith.constant 0 : i32
    return %arg0, %c0_i32 : i32, i32
  }
  func.func @transform_1(%arg0: i32) -> (i32, i32) {
    %c0_i32 = arith.constant 0 : i32
    %c0_i32_0 = arith.constant 0 : i32
    %c0_i32_1 = arith.constant 0 : i32
    return %c0_i32, %c0_i32_0 : i32, i32
  }
  func.func @transform_2(%arg0: i32) -> (i32, i32) {
    %c0_i32 = arith.constant 0 : i32
    %c0_i32_0 = arith.constant 0 : i32
    %c0_i32_1 = arith.constant 0 : i32
    return %c0_i32, %c0_i32_0 : i32, i32
  }
  func.func @transform_3(%arg0: i32) -> (i32, i32) {
    %c0_i32 = arith.constant 0 : i32
    %c0_i32_0 = arith.constant 0 : i32
    %c0_i32_1 = arith.constant 0 : i32
    return %c0_i32, %c0_i32_0 : i32, i32
  }
  func.func @transform_4(%arg0: i32) -> (i32, i32) {
    %c0_i32 = arith.constant 0 : i32
    %c0_i32_0 = arith.constant 0 : i32
    %c0_i32_1 = arith.constant 0 : i32
    return %c0_i32, %c0_i32_0 : i32, i32
  }
  func.func @transform_5(%arg0: i32) -> (i32, i32) {
    %c0_i32 = arith.constant 0 : i32
    %c0_i32_0 = arith.constant 0 : i32
    return %arg0, %c0_i32 : i32, i32
  }
  func.func @transform_6(%arg0: i32) -> (i32, i32) {
    %c0_i32 = arith.constant 0 : i32
    %c0_i32_0 = arith.constant 0 : i32
    return %arg0, %c0_i32 : i32, i32
  }
  func.func @transform_7(%arg0: i32) -> (i32, i32) {
    %c0_i32 = arith.constant 0 : i32
    %c0_i32_0 = arith.constant 0 : i32
    return %arg0, %c0_i32 : i32, i32
  }
}

module attributes {stable_mosaic.version = 14 : i64} {
  func.func @_edge_body(%arg0: i32, %arg1: memref<2000x256xf32, #tpu.memory_space<vmem>>, %arg2: memref<2000x256xf32, #tpu.memory_space<vmem>>, %arg3: memref<2000x16xf32, #tpu.memory_space<vmem>>, %arg4: memref<16x128xf32, #tpu.memory_space<vmem>>, %arg5: memref<1x128xf32, #tpu.memory_space<vmem>>, %arg6: memref<128x256xf32, #tpu.memory_space<vmem>>, %arg7: memref<1x256xf32, #tpu.memory_space<vmem>>, %arg8: memref<256x128xf32, #tpu.memory_space<vmem>>, %arg9: memref<1x128xf32, #tpu.memory_space<vmem>>, %arg10: memref<2000x128xf32, #tpu.memory_space<vmem>>) attributes {dimension_semantics = [#tpu.dimension_semantics<arbitrary>], iteration_bounds = array<i64: 80>, scalar_prefetch = 0 : i64, scratch_operands = 0 : i64, tpu.core_type = #tpu.core_type<tc>, window_params = [{transform_indices = @transform_0, window_bounds = array<i64: 2000, 256>}, {transform_indices = @transform_1, window_bounds = array<i64: 2000, 256>}, {transform_indices = @transform_2, window_bounds = array<i64: 2000, 16>}, {pipeline_mode = #tpu.pipeline_mode<synchronous>, transform_indices = @transform_3, window_bounds = array<i64: 16, 128>}, {pipeline_mode = #tpu.pipeline_mode<synchronous>, transform_indices = @transform_4, window_bounds = array<i64: 1, 128>}, {pipeline_mode = #tpu.pipeline_mode<synchronous>, transform_indices = @transform_5, window_bounds = array<i64: 128, 256>}, {pipeline_mode = #tpu.pipeline_mode<synchronous>, transform_indices = @transform_6, window_bounds = array<i64: 1, 256>}, {pipeline_mode = #tpu.pipeline_mode<synchronous>, transform_indices = @transform_7, window_bounds = array<i64: 256, 128>}, {pipeline_mode = #tpu.pipeline_mode<synchronous>, transform_indices = @transform_8, window_bounds = array<i64: 1, 128>}, {transform_indices = @transform_9, window_bounds = array<i64: 2000, 128>}]} {
    %get3A = arith.constant 0 : index
    %get3A_0 = arith.constant 0 : index
    %get3A_1 = vector.load %arg4[%get3A, %get3A_0] : memref<16x128xf32, #tpu.memory_space<vmem>>, vector<16x128xf32>
    %get3A_2 = arith.constant 0 : index
    %get3A_3 = arith.constant 0 : index
    %get3A_4 = vector.load %arg6[%get3A_2, %get3A_3] : memref<128x256xf32, #tpu.memory_space<vmem>>, vector<128x256xf32>
    %dot_general3A = arith.constant dense<0.000000e+00> : vector<16x256xf32>
    %dot_general3A_5 = tpu.matmul %get3A_1, %get3A_4, %dot_general3A {dimension_numbers = #tpu.dot_dimension_numbers<[1], [0], [0], [1], [0, 0, 1, 1], [], []>, transpose_lhs_hint = false} : vector<16x128xf32>, vector<128x256xf32>, vector<16x256xf32> -> vector<16x256xf32>
    %get3A_6 = arith.constant 0 : index
    %get3A_7 = arith.constant 0 : index
    %get3A_8 = vector.load %arg5[%get3A_6, %get3A_7] : memref<1x128xf32, #tpu.memory_space<vmem>>, vector<1x128xf32>
    %get3A_9 = arith.constant 0 : index
    %get3A_10 = arith.constant 0 : index
    %get3A_11 = vector.load %arg6[%get3A_9, %get3A_10] : memref<128x256xf32, #tpu.memory_space<vmem>>, vector<128x256xf32>
    %dot_general3A_12 = arith.constant dense<0.000000e+00> : vector<1x256xf32>
    %dot_general3A_13 = tpu.matmul %get3A_8, %get3A_11, %dot_general3A_12 {dimension_numbers = #tpu.dot_dimension_numbers<[1], [0], [0], [1], [0, 0, 1, 1], [], []>, transpose_lhs_hint = false} : vector<1x128xf32>, vector<128x256xf32>, vector<1x256xf32> -> vector<1x256xf32>
    %get3A_14 = arith.constant 0 : index
    %get3A_15 = arith.constant 0 : index
    %get3A_16 = vector.load %arg7[%get3A_14, %get3A_15] : memref<1x256xf32, #tpu.memory_space<vmem>>, vector<1x256xf32>
    %add3A = arith.addf %dot_general3A_13, %get3A_16 : vector<1x256xf32>
    %get3A_17 = arith.constant 0 : index
    %get3A_18 = arith.constant 0 : index
    %get3A_19 = vector.load %arg1[%get3A_17, %get3A_18] : memref<2000x256xf32, #tpu.memory_space<vmem>>, vector<2000x256xf32>
    %get3A_20 = arith.constant 0 : index
    %get3A_21 = arith.constant 0 : index
    %get3A_22 = vector.load %arg2[%get3A_20, %get3A_21] : memref<2000x256xf32, #tpu.memory_space<vmem>>, vector<2000x256xf32>
    %add3A_23 = arith.addf %get3A_19, %get3A_22 : vector<2000x256xf32>
    %get3A_24 = arith.constant 0 : index
    %get3A_25 = arith.constant 0 : index
    %get3A_26 = vector.load %arg3[%get3A_24, %get3A_25] : memref<2000x16xf32, #tpu.memory_space<vmem>>, vector<2000x16xf32>
    %dot_general3A_27 = arith.constant dense<0.000000e+00> : vector<2000x256xf32>
    %dot_general3A_28 = tpu.matmul %get3A_26, %dot_general3A_5, %dot_general3A_27 {dimension_numbers = #tpu.dot_dimension_numbers<[1], [0], [0], [1], [0, 0, 1, 1], [], []>, transpose_lhs_hint = false} : vector<2000x16xf32>, vector<16x256xf32>, vector<2000x256xf32> -> vector<2000x256xf32>
    %add3A_29 = arith.addf %add3A_23, %dot_general3A_28 : vector<2000x256xf32>
    %add3A_30 = vector.broadcast %add3A : vector<1x256xf32> to vector<2000x256xf32>
    %add3A_31 = arith.addf %add3A_29, %add3A_30 : vector<2000x256xf32>
    %max3A = arith.constant 0.000000e+00 : f32
    %max3A_32 = vector.broadcast %max3A : f32 to vector<2000x256xf32>
    %max3A_33 = arith.maximumf %add3A_31, %max3A_32 : vector<2000x256xf32>
    %convert_element_type3A = arith.truncf %max3A_33 : vector<2000x256xf32> to vector<2000x256xbf16>
    %get3A_34 = arith.constant 0 : index
    %get3A_35 = arith.constant 0 : index
    %get3A_36 = vector.load %arg8[%get3A_34, %get3A_35] : memref<256x128xf32, #tpu.memory_space<vmem>>, vector<256x128xf32>
    %convert_element_type3A_37 = arith.truncf %get3A_36 : vector<256x128xf32> to vector<256x128xbf16>
    %dot_general3A_38 = arith.constant dense<0.000000e+00> : vector<2000x128xf32>
    %dot_general3A_39 = tpu.matmul %convert_element_type3A, %convert_element_type3A_37, %dot_general3A_38 {dimension_numbers = #tpu.dot_dimension_numbers<[1], [0], [0], [1], [0, 0, 1, 1], [], []>, transpose_lhs_hint = false} : vector<2000x256xbf16>, vector<256x128xbf16>, vector<2000x128xf32> -> vector<2000x128xf32>
    %get3A_40 = arith.constant 0 : index
    %get3A_41 = arith.constant 0 : index
    %get3A_42 = vector.load %arg9[%get3A_40, %get3A_41] : memref<1x128xf32, #tpu.memory_space<vmem>>, vector<1x128xf32>
    %add3A_43 = vector.broadcast %get3A_42 : vector<1x128xf32> to vector<2000x128xf32>
    %add3A_44 = arith.addf %dot_general3A_39, %add3A_43 : vector<2000x128xf32>
    %swap3A = arith.constant 0 : index
    %swap3A_45 = arith.constant 0 : index
    %swap3A_46 = vector.load %arg10[%swap3A, %swap3A_45] : memref<2000x128xf32, #tpu.memory_space<vmem>>, vector<2000x128xf32>
    tpu.vector_store %arg10[%swap3A, %swap3A_45], %add3A_44 {strides = array<i32>} : memref<2000x128xf32, #tpu.memory_space<vmem>>, vector<2000x128xf32>,
    return
  }
  func.func @transform_0(%arg0: i32) -> (i32, i32) {
    %c0_i32 = arith.constant 0 : i32
    %c0_i32_0 = arith.constant 0 : i32
    return %arg0, %c0_i32 : i32, i32
  }
  func.func @transform_1(%arg0: i32) -> (i32, i32) {
    %c0_i32 = arith.constant 0 : i32
    %c0_i32_0 = arith.constant 0 : i32
    return %arg0, %c0_i32 : i32, i32
  }
  func.func @transform_2(%arg0: i32) -> (i32, i32) {
    %c0_i32 = arith.constant 0 : i32
    %c0_i32_0 = arith.constant 0 : i32
    return %arg0, %c0_i32 : i32, i32
  }
  func.func @transform_3(%arg0: i32) -> (i32, i32) {
    %c0_i32 = arith.constant 0 : i32
    %c0_i32_0 = arith.constant 0 : i32
    %c0_i32_1 = arith.constant 0 : i32
    return %c0_i32, %c0_i32_0 : i32, i32
  }
  func.func @transform_4(%arg0: i32) -> (i32, i32) {
    %c0_i32 = arith.constant 0 : i32
    %c0_i32_0 = arith.constant 0 : i32
    %c0_i32_1 = arith.constant 0 : i32
    return %c0_i32, %c0_i32_0 : i32, i32
  }
  func.func @transform_5(%arg0: i32) -> (i32, i32) {
    %c0_i32 = arith.constant 0 : i32
    %c0_i32_0 = arith.constant 0 : i32
    %c0_i32_1 = arith.constant 0 : i32
    return %c0_i32, %c0_i32_0 : i32, i32
  }
  func.func @transform_6(%arg0: i32) -> (i32, i32) {
    %c0_i32 = arith.constant 0 : i32
    %c0_i32_0 = arith.constant 0 : i32
    %c0_i32_1 = arith.constant 0 : i32
    return %c0_i32, %c0_i32_0 : i32, i32
  }
  func.func @transform_7(%arg0: i32) -> (i32, i32) {
    %c0_i32 = arith.constant 0 : i32
    %c0_i32_0 = arith.constant 0 : i32
    %c0_i32_1 = arith.constant 0 : i32
    return %c0_i32, %c0_i32_0 : i32, i32
  }
  func.func @transform_8(%arg0: i32) -> (i32, i32) {
    %c0_i32 = arith.constant 0 : i32
    %c0_i32_0 = arith.constant 0 : i32
    %c0_i32_1 = arith.constant 0 : i32
    return %c0_i32, %c0_i32_0 : i32, i32
  }
  func.func @transform_9(%arg0: i32) -> (i32, i32) {
    %c0_i32 = arith.constant 0 : i32
    %c0_i32_0 = arith.constant 0 : i32
    return %arg0, %c0_i32 : i32, i32
  }
}

module attributes {stable_mosaic.version = 14 : i64} {
  func.func @_node_body(%arg0: i32, %arg1: memref<1000x128xf32, #tpu.memory_space<vmem>>, %arg2: memref<1000x128xf32, #tpu.memory_space<vmem>>, %arg3: memref<1000x128xf32, #tpu.memory_space<vmem>>, %arg4: memref<128x256xf32, #tpu.memory_space<vmem>>, %arg5: memref<128x256xf32, #tpu.memory_space<vmem>>, %arg6: memref<128x256xf32, #tpu.memory_space<vmem>>, %arg7: memref<1x256xf32, #tpu.memory_space<vmem>>, %arg8: memref<256x128xf32, #tpu.memory_space<vmem>>, %arg9: memref<1x128xf32, #tpu.memory_space<vmem>>, %arg10: memref<128x256xf32, #tpu.memory_space<vmem>>, %arg11: memref<128x256xf32, #tpu.memory_space<vmem>>, %arg12: memref<1x256xf32, #tpu.memory_space<vmem>>, %arg13: memref<256x128xf32, #tpu.memory_space<vmem>>, %arg14: memref<1x128xf32, #tpu.memory_space<vmem>>, %arg15: memref<128x1xf32, #tpu.memory_space<vmem>>, %arg16: memref<1x1xf32, #tpu.memory_space<vmem>>, %arg17: memref<1x1xf32, #tpu.memory_space<vmem>>, %arg18: memref<1x256xf32, #tpu.memory_space<vmem>>, %arg19: memref<1x128xf32, #tpu.memory_space<vmem>>) attributes {dimension_semantics = [#tpu.dimension_semantics<arbitrary>], iteration_bounds = array<i64: 10>, scalar_prefetch = 0 : i64, scratch_operands = 2 : i64, tpu.core_type = #tpu.core_type<tc>, window_params = [{transform_indices = @transform_0, window_bounds = array<i64: 1000, 128>}, {transform_indices = @transform_1, window_bounds = array<i64: 1000, 128>}, {transform_indices = @transform_2, window_bounds = array<i64: 1000, 128>}, {pipeline_mode = #tpu.pipeline_mode<synchronous>, transform_indices = @transform_3, window_bounds = array<i64: 128, 256>}, {pipeline_mode = #tpu.pipeline_mode<synchronous>, transform_indices = @transform_4, window_bounds = array<i64: 128, 256>}, {pipeline_mode = #tpu.pipeline_mode<synchronous>, transform_indices = @transform_5, window_bounds = array<i64: 128, 256>}, {pipeline_mode = #tpu.pipeline_mode<synchronous>, transform_indices = @transform_6, window_bounds = array<i64: 1, 256>}, {pipeline_mode = #tpu.pipeline_mode<synchronous>, transform_indices = @transform_7, window_bounds = array<i64: 256, 128>}, {pipeline_mode = #tpu.pipeline_mode<synchronous>, transform_indices = @transform_8, window_bounds = array<i64: 1, 128>}, {pipeline_mode = #tpu.pipeline_mode<synchronous>, transform_indices = @transform_9, window_bounds = array<i64: 128, 256>}, {pipeline_mode = #tpu.pipeline_mode<synchronous>, transform_indices = @transform_10, window_bounds = array<i64: 128, 256>}, {pipeline_mode = #tpu.pipeline_mode<synchronous>, transform_indices = @transform_11, window_bounds = array<i64: 1, 256>}, {pipeline_mode = #tpu.pipeline_mode<synchronous>, transform_indices = @transform_12, window_bounds = array<i64: 256, 128>}, {pipeline_mode = #tpu.pipeline_mode<synchronous>, transform_indices = @transform_13, window_bounds = array<i64: 1, 128>}, {pipeline_mode = #tpu.pipeline_mode<synchronous>, transform_indices = @transform_14, window_bounds = array<i64: 128, 1>}, {pipeline_mode = #tpu.pipeline_mode<synchronous>, transform_indices = @transform_15, window_bounds = array<i64: 1, 1>}, {pipeline_mode = #tpu.pipeline_mode<synchronous>, transform_indices = @transform_16, window_bounds = array<i64: 1, 1>}]} {
    %eq3A = arith.constant 0 : i32
    %eq3A_0 = arith.cmpi eq, %arg0, %eq3A : i32
    %convert_element_type3A = arith.extui %eq3A_0 : i1 to i32
    %cond3A = arith.constant 0 : i32
    %cond3A_1 = arith.cmpi ne, %convert_element_type3A, %cond3A : i32
    scf.if %cond3A_1 {
      %broadcast_in_dim3A_60 = arith.constant 0.000000e+00 : f32
      %broadcast_in_dim3A_61 = vector.broadcast %broadcast_in_dim3A_60 : f32 to vector<1x256xf32>
      %swap3A_62 = arith.constant 0 : index
      %swap3A_63 = arith.constant 0 : index
      %swap3A_64 = vector.load %arg18[%swap3A_62, %swap3A_63] : memref<1x256xf32, #tpu.memory_space<vmem>>, vector<1x256xf32>
      tpu.vector_store %arg18[%swap3A_62, %swap3A_63], %broadcast_in_dim3A_61 {strides = array<i32>} : memref<1x256xf32, #tpu.memory_space<vmem>>, vector<1x256xf32>,
      %broadcast_in_dim3A_65 = arith.constant 0.000000e+00 : f32
      %broadcast_in_dim3A_66 = vector.broadcast %broadcast_in_dim3A_65 : f32 to vector<1x128xf32>
      %swap3A_67 = arith.constant 0 : index
      %swap3A_68 = arith.constant 0 : index
      %swap3A_69 = vector.load %arg19[%swap3A_67, %swap3A_68] : memref<1x128xf32, #tpu.memory_space<vmem>>, vector<1x128xf32>
      tpu.vector_store %arg19[%swap3A_67, %swap3A_68], %broadcast_in_dim3A_66 {strides = array<i32>} : memref<1x128xf32, #tpu.memory_space<vmem>>, vector<1x128xf32>,
    } else {
    }
    %get3A = arith.constant 0 : index
    %get3A_2 = arith.constant 0 : index
    %get3A_3 = vector.load %arg2[%get3A, %get3A_2] : memref<1000x128xf32, #tpu.memory_space<vmem>>, vector<1000x128xf32>
    %get3A_4 = arith.constant 0 : index
    %get3A_5 = arith.constant 0 : index
    %get3A_6 = vector.load %arg1[%get3A_4, %get3A_5] : memref<1000x128xf32, #tpu.memory_space<vmem>>, vector<1000x128xf32>
    %convert_element_type3A_7 = arith.truncf %get3A_6 : vector<1000x128xf32> to vector<1000x128xbf16>
    %get3A_8 = arith.constant 0 : index
    %get3A_9 = arith.constant 0 : index
    %get3A_10 = vector.load %arg4[%get3A_8, %get3A_9] : memref<128x256xf32, #tpu.memory_space<vmem>>, vector<128x256xf32>
    %convert_element_type3A_11 = arith.truncf %get3A_10 : vector<128x256xf32> to vector<128x256xbf16>
    %dot_general3A = arith.constant dense<0.000000e+00> : vector<1000x256xf32>
    %dot_general3A_12 = tpu.matmul %convert_element_type3A_7, %convert_element_type3A_11, %dot_general3A {dimension_numbers = #tpu.dot_dimension_numbers<[1], [0], [0], [1], [0, 0, 1, 1], [], []>, transpose_lhs_hint = false} : vector<1000x128xbf16>, vector<128x256xbf16>, vector<1000x256xf32> -> vector<1000x256xf32>
    %convert_element_type3A_13 = arith.truncf %get3A_3 : vector<1000x128xf32> to vector<1000x128xbf16>
    %get3A_14 = arith.constant 0 : index
    %get3A_15 = arith.constant 0 : index
    %get3A_16 = vector.load %arg5[%get3A_14, %get3A_15] : memref<128x256xf32, #tpu.memory_space<vmem>>, vector<128x256xf32>
    %convert_element_type3A_17 = arith.truncf %get3A_16 : vector<128x256xf32> to vector<128x256xbf16>
    %dot_general3A_18 = arith.constant dense<0.000000e+00> : vector<1000x256xf32>
    %dot_general3A_19 = tpu.matmul %convert_element_type3A_13, %convert_element_type3A_17, %dot_general3A_18 {dimension_numbers = #tpu.dot_dimension_numbers<[1], [0], [0], [1], [0, 0, 1, 1], [], []>, transpose_lhs_hint = false} : vector<1000x128xbf16>, vector<128x256xbf16>, vector<1000x256xf32> -> vector<1000x256xf32>
    %add3A = arith.addf %dot_general3A_12, %dot_general3A_19 : vector<1000x256xf32>
    %get3A_20 = arith.constant 0 : index
    %get3A_21 = arith.constant 0 : index
    %get3A_22 = vector.load %arg3[%get3A_20, %get3A_21] : memref<1000x128xf32, #tpu.memory_space<vmem>>, vector<1000x128xf32>
    %convert_element_type3A_23 = arith.truncf %get3A_22 : vector<1000x128xf32> to vector<1000x128xbf16>
    %get3A_24 = arith.constant 0 : index
    %get3A_25 = arith.constant 0 : index
    %get3A_26 = vector.load %arg6[%get3A_24, %get3A_25] : memref<128x256xf32, #tpu.memory_space<vmem>>, vector<128x256xf32>
    %convert_element_type3A_27 = arith.truncf %get3A_26 : vector<128x256xf32> to vector<128x256xbf16>
    %dot_general3A_28 = arith.constant dense<0.000000e+00> : vector<1000x256xf32>
    %dot_general3A_29 = tpu.matmul %convert_element_type3A_23, %convert_element_type3A_27, %dot_general3A_28 {dimension_numbers = #tpu.dot_dimension_numbers<[1], [0], [0], [1], [0, 0, 1, 1], [], []>, transpose_lhs_hint = false} : vector<1000x128xbf16>, vector<128x256xbf16>, vector<1000x256xf32> -> vector<1000x256xf32>
    %add3A_30 = arith.addf %add3A, %dot_general3A_29 : vector<1000x256xf32>
    %get3A_31 = arith.constant 0 : index
    %get3A_32 = arith.constant 0 : index
    %get3A_33 = vector.load %arg7[%get3A_31, %get3A_32] : memref<1x256xf32, #tpu.memory_space<vmem>>, vector<1x256xf32>
    %add3A_34 = vector.broadcast %get3A_33 : vector<1x256xf32> to vector<1000x256xf32>
    %add3A_35 = arith.addf %add3A_30, %add3A_34 : vector<1000x256xf32>
    %max3A = arith.constant 0.000000e+00 : f32
    %max3A_36 = vector.broadcast %max3A : f32 to vector<1000x256xf32>
    %max3A_37 = arith.maximumf %add3A_35, %max3A_36 : vector<1000x256xf32>
    %get3A_38 = arith.constant 0 : index
    %get3A_39 = arith.constant 0 : index
    %get3A_40 = vector.load %arg18[%get3A_38, %get3A_39] : memref<1x256xf32, #tpu.memory_space<vmem>>, vector<1x256xf32>
    %reduce_sum3A = arith.constant dense<0.000000e+00> : vector<256xf32>
    %reduce_sum3A_41 = vector.multi_reduction <add>, %max3A_37, %reduce_sum3A [0] : vector<1000x256xf32> to vector<256xf32>
    %broadcast_in_dim3A = vector.shape_cast %reduce_sum3A_41 : vector<256xf32> to vector<1x256xf32>
    %add3A_42 = arith.addf %get3A_40, %broadcast_in_dim3A : vector<1x256xf32>
    %swap3A = arith.constant 0 : index
    %swap3A_43 = arith.constant 0 : index
    %swap3A_44 = vector.load %arg18[%swap3A, %swap3A_43] : memref<1x256xf32, #tpu.memory_space<vmem>>, vector<1x256xf32>
    tpu.vector_store %arg18[%swap3A, %swap3A_43], %add3A_42 {strides = array<i32>} : memref<1x256xf32, #tpu.memory_space<vmem>>, vector<1x256xf32>,
    %get3A_45 = arith.constant 0 : index
    %get3A_46 = arith.constant 0 : index
    %get3A_47 = vector.load %arg19[%get3A_45, %get3A_46] : memref<1x128xf32, #tpu.memory_space<vmem>>, vector<1x128xf32>
    %reduce_sum3A_48 = arith.constant dense<0.000000e+00> : vector<128xf32>
    %reduce_sum3A_49 = vector.multi_reduction <add>, %get3A_3, %reduce_sum3A_48 [0] : vector<1000x128xf32> to vector<128xf32>
    %broadcast_in_dim3A_50 = vector.shape_cast %reduce_sum3A_49 : vector<128xf32> to vector<1x128xf32>
    %add3A_51 = arith.addf %get3A_47, %broadcast_in_dim3A_50 : vector<1x128xf32>
    %swap3A_52 = arith.constant 0 : index
    %swap3A_53 = arith.constant 0 : index
    %swap3A_54 = vector.load %arg19[%swap3A_52, %swap3A_53] : memref<1x128xf32, #tpu.memory_space<vmem>>, vector<1x128xf32>
    tpu.vector_store %arg19[%swap3A_52, %swap3A_53], %add3A_51 {strides = array<i32>} : memref<1x128xf32, #tpu.memory_space<vmem>>, vector<1x128xf32>,
    %eq3A_55 = arith.constant 9 : i32
    %eq3A_56 = arith.cmpi eq, %arg0, %eq3A_55 : i32
    %convert_element_type3A_57 = arith.extui %eq3A_56 : i1 to i32
    %cond3A_58 = arith.constant 0 : i32
    %cond3A_59 = arith.cmpi ne, %convert_element_type3A_57, %cond3A_58 : i32
    scf.if %cond3A_59 {
      %get3A_60 = arith.constant 0 : index
      %get3A_61 = arith.constant 0 : index
      %get3A_62 = vector.load %arg18[%get3A_60, %get3A_61] : memref<1x256xf32, #tpu.memory_space<vmem>>, vector<1x256xf32>
      %get3A_63 = arith.constant 0 : index
      %get3A_64 = arith.constant 0 : index
      %get3A_65 = vector.load %arg8[%get3A_63, %get3A_64] : memref<256x128xf32, #tpu.memory_space<vmem>>, vector<256x128xf32>
      %dot_general3A_66 = arith.constant dense<0.000000e+00> : vector<1x128xf32>
      %dot_general3A_67 = tpu.matmul %get3A_62, %get3A_65, %dot_general3A_66 {dimension_numbers = #tpu.dot_dimension_numbers<[1], [0], [0], [1], [0, 0, 1, 1], [], []>, transpose_lhs_hint = false} : vector<1x256xf32>, vector<256x128xf32>, vector<1x128xf32> -> vector<1x128xf32>
      %get3A_68 = arith.constant 0 : index
      %get3A_69 = arith.constant 0 : index
      %get3A_70 = vector.load %arg9[%get3A_68, %get3A_69] : memref<1x128xf32, #tpu.memory_space<vmem>>, vector<1x128xf32>
      %mul3A = arith.constant 1.000000e+04 : f32
      %mul3A_71 = vector.broadcast %mul3A : f32 to vector<1x128xf32>
      %mul3A_72 = arith.mulf %mul3A_71, %get3A_70 : vector<1x128xf32>
      %add3A_73 = arith.addf %dot_general3A_67, %mul3A_72 : vector<1x128xf32>
      %get3A_74 = arith.constant 0 : index
      %get3A_75 = arith.constant 0 : index
      %get3A_76 = vector.load %arg19[%get3A_74, %get3A_75] : memref<1x128xf32, #tpu.memory_space<vmem>>, vector<1x128xf32>
      %get3A_77 = arith.constant 0 : index
      %get3A_78 = arith.constant 0 : index
      %get3A_79 = vector.load %arg10[%get3A_77, %get3A_78] : memref<128x256xf32, #tpu.memory_space<vmem>>, vector<128x256xf32>
      %dot_general3A_80 = arith.constant dense<0.000000e+00> : vector<1x256xf32>
      %dot_general3A_81 = tpu.matmul %add3A_73, %get3A_79, %dot_general3A_80 {dimension_numbers = #tpu.dot_dimension_numbers<[1], [0], [0], [1], [0, 0, 1, 1], [], []>, transpose_lhs_hint = false} : vector<1x128xf32>, vector<128x256xf32>, vector<1x256xf32> -> vector<1x256xf32>
      %get3A_82 = arith.constant 0 : index
      %get3A_83 = arith.constant 0 : index
      %get3A_84 = vector.load %arg11[%get3A_82, %get3A_83] : memref<128x256xf32, #tpu.memory_space<vmem>>, vector<128x256xf32>
      %dot_general3A_85 = arith.constant dense<0.000000e+00> : vector<1x256xf32>
      %dot_general3A_86 = tpu.matmul %get3A_76, %get3A_84, %dot_general3A_85 {dimension_numbers = #tpu.dot_dimension_numbers<[1], [0], [0], [1], [0, 0, 1, 1], [], []>, transpose_lhs_hint = false} : vector<1x128xf32>, vector<128x256xf32>, vector<1x256xf32> -> vector<1x256xf32>
      %add3A_87 = arith.addf %dot_general3A_81, %dot_general3A_86 : vector<1x256xf32>
      %get3A_88 = arith.constant 0 : index
      %get3A_89 = arith.constant 0 : index
      %get3A_90 = vector.load %arg12[%get3A_88, %get3A_89] : memref<1x256xf32, #tpu.memory_space<vmem>>, vector<1x256xf32>
      %add3A_91 = arith.addf %add3A_87, %get3A_90 : vector<1x256xf32>
      %max3A_92 = arith.constant 0.000000e+00 : f32
      %max3A_93 = vector.broadcast %max3A_92 : f32 to vector<1x256xf32>
      %max3A_94 = arith.maximumf %add3A_91, %max3A_93 : vector<1x256xf32>
      %get3A_95 = arith.constant 0 : index
      %get3A_96 = arith.constant 0 : index
      %get3A_97 = vector.load %arg13[%get3A_95, %get3A_96] : memref<256x128xf32, #tpu.memory_space<vmem>>, vector<256x128xf32>
      %dot_general3A_98 = arith.constant dense<0.000000e+00> : vector<1x128xf32>
      %dot_general3A_99 = tpu.matmul %max3A_94, %get3A_97, %dot_general3A_98 {dimension_numbers = #tpu.dot_dimension_numbers<[1], [0], [0], [1], [0, 0, 1, 1], [], []>, transpose_lhs_hint = false} : vector<1x256xf32>, vector<256x128xf32>, vector<1x128xf32> -> vector<1x128xf32>
      %get3A_100 = arith.constant 0 : index
      %get3A_101 = arith.constant 0 : index
      %get3A_102 = vector.load %arg14[%get3A_100, %get3A_101] : memref<1x128xf32, #tpu.memory_space<vmem>>, vector<1x128xf32>
      %add3A_103 = arith.addf %dot_general3A_99, %get3A_102 : vector<1x128xf32>
      %max3A_104 = arith.constant 0.000000e+00 : f32
      %max3A_105 = vector.broadcast %max3A_104 : f32 to vector<1x128xf32>
      %max3A_106 = arith.maximumf %add3A_103, %max3A_105 : vector<1x128xf32>
      %get3A_107 = arith.constant 0 : index
      %get3A_108 = arith.constant 0 : index
      %get3A_109 = vector.load %arg15[%get3A_107, %get3A_108] : memref<128x1xf32, #tpu.memory_space<vmem>>, vector<128x1xf32>
      %dot_general3A_110 = arith.constant dense<0.000000e+00> : vector<1x1xf32>
      %dot_general3A_111 = tpu.matmul %max3A_106, %get3A_109, %dot_general3A_110 {dimension_numbers = #tpu.dot_dimension_numbers<[1], [0], [0], [1], [0, 0, 1, 1], [], []>, transpose_lhs_hint = false} : vector<1x128xf32>, vector<128x1xf32>, vector<1x1xf32> -> vector<1x1xf32>
      %get3A_112 = arith.constant 0 : index
      %get3A_113 = arith.constant 0 : index
      %get3A_114 = vector.load %arg16[%get3A_112, %get3A_113] : memref<1x1xf32, #tpu.memory_space<vmem>>, vector<1x1xf32>
      %add3A_115 = arith.addf %dot_general3A_111, %get3A_114 : vector<1x1xf32>
      %swap3A_116 = arith.constant 0 : index
      %swap3A_117 = arith.constant 0 : index
      %swap3A_118 = vector.load %arg17[%swap3A_116, %swap3A_117] : memref<1x1xf32, #tpu.memory_space<vmem>>, vector<1x1xf32>
      tpu.vector_store %arg17[%swap3A_116, %swap3A_117], %add3A_115 {strides = array<i32>} : memref<1x1xf32, #tpu.memory_space<vmem>>, vector<1x1xf32>,
    } else {
    }
    return
  }
  func.func @transform_0(%arg0: i32) -> (i32, i32) {
    %c0_i32 = arith.constant 0 : i32
    %c0_i32_0 = arith.constant 0 : i32
    return %arg0, %c0_i32 : i32, i32
  }
  func.func @transform_1(%arg0: i32) -> (i32, i32) {
    %c0_i32 = arith.constant 0 : i32
    %c0_i32_0 = arith.constant 0 : i32
    return %arg0, %c0_i32 : i32, i32
  }
  func.func @transform_2(%arg0: i32) -> (i32, i32) {
    %c0_i32 = arith.constant 0 : i32
    %c0_i32_0 = arith.constant 0 : i32
    return %arg0, %c0_i32 : i32, i32
  }
  func.func @transform_3(%arg0: i32) -> (i32, i32) {
    %c0_i32 = arith.constant 0 : i32
    %c0_i32_0 = arith.constant 0 : i32
    %c0_i32_1 = arith.constant 0 : i32
    return %c0_i32, %c0_i32_0 : i32, i32
  }
  func.func @transform_4(%arg0: i32) -> (i32, i32) {
    %c0_i32 = arith.constant 0 : i32
    %c0_i32_0 = arith.constant 0 : i32
    %c0_i32_1 = arith.constant 0 : i32
    return %c0_i32, %c0_i32_0 : i32, i32
  }
  func.func @transform_5(%arg0: i32) -> (i32, i32) {
    %c0_i32 = arith.constant 0 : i32
    %c0_i32_0 = arith.constant 0 : i32
    %c0_i32_1 = arith.constant 0 : i32
    return %c0_i32, %c0_i32_0 : i32, i32
  }
  func.func @transform_6(%arg0: i32) -> (i32, i32) {
    %c0_i32 = arith.constant 0 : i32
    %c0_i32_0 = arith.constant 0 : i32
    %c0_i32_1 = arith.constant 0 : i32
    return %c0_i32, %c0_i32_0 : i32, i32
  }
  func.func @transform_7(%arg0: i32) -> (i32, i32) {
    %c0_i32 = arith.constant 0 : i32
    %c0_i32_0 = arith.constant 0 : i32
    %c0_i32_1 = arith.constant 0 : i32
    return %c0_i32, %c0_i32_0 : i32, i32
  }
  func.func @transform_8(%arg0: i32) -> (i32, i32) {
    %c0_i32 = arith.constant 0 : i32
    %c0_i32_0 = arith.constant 0 : i32
    %c0_i32_1 = arith.constant 0 : i32
    return %c0_i32, %c0_i32_0 : i32, i32
  }
  func.func @transform_9(%arg0: i32) -> (i32, i32) {
    %c0_i32 = arith.constant 0 : i32
    %c0_i32_0 = arith.constant 0 : i32
    %c0_i32_1 = arith.constant 0 : i32
    return %c0_i32, %c0_i32_0 : i32, i32
  }
  func.func @transform_10(%arg0: i32) -> (i32, i32) {
    %c0_i32 = arith.constant 0 : i32
    %c0_i32_0 = arith.constant 0 : i32
    %c0_i32_1 = arith.constant 0 : i32
    return %c0_i32, %c0_i32_0 : i32, i32
  }
  func.func @transform_11(%arg0: i32) -> (i32, i32) {
    %c0_i32 = arith.constant 0 : i32
    %c0_i32_0 = arith.constant 0 : i32
    %c0_i32_1 = arith.constant 0 : i32
    return %c0_i32, %c0_i32_0 : i32, i32
  }
  func.func @transform_12(%arg0: i32) -> (i32, i32) {
    %c0_i32 = arith.constant 0 : i32
    %c0_i32_0 = arith.constant 0 : i32
    %c0_i32_1 = arith.constant 0 : i32
    return %c0_i32, %c0_i32_0 : i32, i32
  }
  func.func @transform_13(%arg0: i32) -> (i32, i32) {
    %c0_i32 = arith.constant 0 : i32
    %c0_i32_0 = arith.constant 0 : i32
    %c0_i32_1 = arith.constant 0 : i32
    return %c0_i32, %c0_i32_0 : i32, i32
  }
  func.func @transform_14(%arg0: i32) -> (i32, i32) {
    %c0_i32 = arith.constant 0 : i32
    %c0_i32_0 = arith.constant 0 : i32
    %c0_i32_1 = arith.constant 0 : i32
    return %c0_i32, %c0_i32_0 : i32, i32
  }
  func.func @transform_15(%arg0: i32) -> (i32, i32) {
    %c0_i32 = arith.constant 0 : i32
    %c0_i32_0 = arith.constant 0 : i32
    %c0_i32_1 = arith.constant 0 : i32
    return %c0_i32, %c0_i32_0 : i32, i32
  }
  func.func @transform_16(%arg0: i32) -> (i32, i32) {
    %c0_i32 = arith.constant 0 : i32
    %c0_i32_0 = arith.constant 0 : i32
    %c0_i32_1 = arith.constant 0 : i32
    return %c0_i32, %c0_i32_0 : i32, i32
  }
}

</mosaic_0001>

<sc_bundles>
// kernel: kernel.10.cloned.1.call-start
scs
__scs_entry_jumppad:
0x0: {  	(pc) =	sbr.rel $0x88, $3  }
0x1: {  	(tag) =	ssettag $0x0;
	lr =	simm.s32 $0x1  }
0x2: {  	[smem:$0x3F8B] =	sst lr;
	_ =	strace $0xD0000000  }
0x3: {  	_ = 	snop  }
0x4: {  	_ = 	snop  }
0x5: {  	_ = 	snop  }
0x6: {  	_ = 	snop  }
0x7: {  	_ = 	snop  }
__scs_overlays_trampoline_lowered:
0x8: {  	[smem:$0x3F9A] =	sst s0  }
0x9: {  	[smem:$0x3F9B] =	sst s1  }
0xa: {  	[smem:$0x3F9C] =	sst s2  }
0xb: {  	[smem:$0x3F9D] =	sst s3  }
0xc: {  	[smem:$0x3F9E] =	sst s4  }
0xd: {  	[smem:$0x3F9F] =	sst s5  }
0xe: {  	[smem:$0x3FA0] =	sst s6  }
0xf: {  	[smem:$0x3FA1] =	sst s7  }
0x10: {  	[smem:$0x3FA2] =	sst s8  }
0x11: {  	[smem:$0x3FA3] =	sst s9;
	s0 =	simm.s32 @!p0 $0x0  }
0x12: {  	s1 =	sld [smem:$0x3F89];
	s0 =	simm.s32 @p0 $0x1  }
0x13: {  	[smem:$0x3FA4] =	sst s0;
	s0 =	simm.s32 @!p1 $0x0  }
0x14: {  	s2 =	sld [smem:$0x3F88];
	s0 =	simm.s32 @p1 $0x1  }
0x15: {  	[smem:$0x3FA5] =	sst s0;
	s0 =	simm.s32 @!p2 $0x0  }
0x16: {  	s3 =	sld [smem:$0x3FDB];
	s0 =	simm.s32 @p2 $0x1  }
0x17: {  	s4 =	simm.s32 $0x1BF5;
	[smem:$0x3FA7] =	sst s0  }
0x18: {  	s0 =	sld [smem:$0x3F8A];
	_ =	swait.ge [sflag:s4], $0x0  }
0x19: {  	s7 =	sld [smem:$0x3F8B]  }
0x1a: {  	s8 =	sadd.s32 $0xFFFFE003, lr  }
0x1b: {  	s9 =	sadd.s32 $0xFFFFFEF7, lr;
	s5 =	simm.s32 $0xFFFFFFFF;
	p2 =	slt.u32 s8, $0xFFFFF086  }
0x1c: {  	p1 =	slt.u32 s9, $0xF7A;
	s5 =	simm.s32 @!p2 $0x0  }
0x1d: {  	s5 =	simm.s32 @p1 $0x1;
	p0 =	seq.s32 s7, s2  }
0x1e: {  	s7 =	smul.u32 @!p0 $0xF7A, s2;
	p2 =	seq.s32 @!p0 s5, $0x0  }
0x1f: {  	s9 =	smul.u32 $0xF7A, s1;
	s8 =	simm.s32 @!p0 $0x1BF5;
	p2 =	por !p2, p0  }
0x20: {  	[sflag:s8] =	ssyncset.s32 @!p0 $0xFFFFF086;
	s6 =	sadd.s32 @!p0 s3, s7;
	s7 =	simm.s32 @!p0 $0x108  }
0x21: {  	s3 =	sadd.s32 s3, s9;
	s6 =	sadd.s32 @!p0 $0x88, s6;
	s7 =	simm.s32 @p2 $0x1082  }
0x22: {  	[simem:s7], [sflag:s8] =	dma.local @!p0 [hbm:s6], $0xF7A  }
0x23: {  	s9 =	sor.u32 $0xD0000000, s2;
	s6 =	simm.s32 $0x108;
	_ =	swait.ge @!p0 [sflag:s8], $0x0  }
0x24: {  	s3 =	sadd.s32 $0x88, s3;
	s6 =	simm.s32 @!p1 $0x1082;
	[sflag:s4] =	ssyncset.s32 $0xFFFFF086  }
0x25: {  	[simem:s6], [sflag:s4] =	dma.local [hbm:s3], $0xF7A  }
0x26: {  	[smem:$0x3F8B] =	sst s1;
	(tag) =	ssettag s2;
	_ =	strace s9  }
0x27: {  	s1 =	sld [smem:$0x3F9B]  }
0x28: {  	s2 =	sld [smem:$0x3F9C]  }
0x29: {  	s4 =	sld [smem:$0x3F9E]  }
0x2a: {  	p0 =	seq.s32 s5, $0x0;
	s5 =	sld [smem:$0x3F9F]  }
0x2b: {  	s6 =	sld [smem:$0x3FA0]  }
0x2c: {  	s7 =	sld [smem:$0x3FA1]  }
0x2d: {  	s3 =	simm.s32 $0x108;
	s8 =	sld [smem:$0x3FA2]  }
0x2e: {  	s3 =	simm.s32 @!p0 $0x1082;
	s9 =	sld [smem:$0x3FA3]  }
0x2f: {  	lr =	sadd.s32 s0, s3;
	s0 =	sld [smem:$0x3F9A]  }
0x30: {  	s3 =	sld [smem:$0x3F9D]  }
0x31: {  	[smem:$0x3FA6] =	sst s10  }
0x32: {  	s10 =	sld [smem:$0x3FA4];
	_ =	sdelay $0x3  }
0x33: {  	p0 =	seq.s32 s10, $0x1;
	s10 =	sld [smem:$0x3FA6];
	_ =	sdelay $0x3  }
0x34: {  	[smem:$0x3FA6] =	sst s10  }
0x35: {  	s10 =	sld [smem:$0x3FA5];
	_ =	sdelay $0x3  }
0x36: {  	p1 =	seq.s32 s10, $0x1;
	s10 =	sld [smem:$0x3FA6];
	_ =	sdelay $0x3  }
0x37: {  	[smem:$0x3FA6] =	sst s10  }
0x38: {  	s10 =	sld [smem:$0x3FA7]  }
0x39: {  	_ = 	snop;
	(pc) =	sbr.ind lr, $3  }
0x3a: {  	_ = 	snop  }
0x3b: {  	_ = 	snop  }
0x3c: {  	p2 =	seq.s32 s10, $0x1;
	s10 =	sld [smem:$0x3FA6]  }
0x3d: {  	_ =	shalt  }
0x3e: {  	_ =	shalt  }
0x3f: {  	_ =	shalt  }
0x40: {  	_ =	shalt  }
0x41: {  	_ =	shalt  }
0x42: {  	_ =	shalt  }
0x43: {  	_ =	shalt  }
0x44: {  	_ =	shalt  }
0x45: {  	_ =	shalt  }
0x46: {  	_ =	shalt  }
0x47: {  	_ =	shalt  }
0x48: {  	_ =	shalt  }
0x49: {  	_ =	shalt  }
0x4a: {  	_ =	shalt  }
0x4b: {  	_ =	shalt  }
0x4c: {  	_ =	shalt  }
0x4d: {  	_ =	shalt  }
0x4e: {  	_ =	shalt  }
0x4f: {  	_ =	shalt  }
0x50: {  	_ =	shalt  }
0x51: {  	_ =	shalt  }
0x52: {  	_ =	shalt  }
0x53: {  	_ =	shalt  }
0x54: {  	_ =	shalt  }
0x55: {  	_ =	shalt  }
0x56: {  	_ =	shalt  }
0x57: {  	_ =	shalt  }
0x58: {  	_ =	shalt  }
0x59: {  	_ =	shalt  }
0x5a: {  	_ =	shalt  }
0x5b: {  	_ =	shalt  }
0x5c: {  	_ =	shalt  }
0x5d: {  	_ =	shalt  }
0x5e: {  	_ =	shalt  }
0x5f: {  	_ =	shalt  }
0x60: {  	_ =	shalt  }
0x61: {  	_ =	shalt  }
0x62: {  	_ =	shalt  }
0x63: {  	_ =	shalt  }
0x64: {  	_ =	shalt  }
0x65: {  	_ =	shalt  }
0x66: {  	_ =	shalt  }
0x67: {  	_ =	shalt  }
0x68: {  	_ =	shalt  }
0x69: {  	_ =	shalt  }
0x6a: {  	_ =	shalt  }
0x6b: {  	_ =	shalt  }
0x6c: {  	_ =	shalt  }
0x6d: {  	_ =	shalt  }
0x6e: {  	_ =	shalt  }
0x6f: {  	_ =	shalt  }
0x70: {  	_ =	shalt  }
0x71: {  	_ =	shalt  }
0x72: {  	_ =	shalt  }
0x73: {  	_ =	shalt  }
0x74: {  	_ =	shalt  }
0x75: {  	_ =	shalt  }
0x76: {  	_ =	shalt  }
0x77: {  	_ =	shalt  }
0x78: {  	_ =	shalt  }
0x79: {  	_ =	shalt  }
0x7a: {  	_ =	shalt  }
0x7b: {  	_ =	shalt  }
0x7c: {  	_ =	shalt  }
0x7d: {  	_ =	shalt  }
0x7e: {  	_ =	shalt  }
0x7f: {  	_ =	shalt  }
0x80: {  	_ =	shalt  }
0x81: {  	_ =	shalt  }
0x82: {  	_ =	shalt  }
0x83: {  	_ =	shalt  }
0x84: {  	_ =	shalt  }
0x85: {  	_ =	shalt  }
0x86: {  	_ =	shalt  }
0x87: {  	_ =	shalt  }
.Lfunc_end0:
.L_simem_size_0:
called_computation.1_lowered:
.L_overlay_start_0:
0x88: {  	s2 =	sld [smem:$0x3FD9]  }
0x89: {  	s3 =	sld [smem:$0x3FFE];
	_ =	sdelay $0x1  }
0x8a: {  	s1 =	srdreg.scid  }
0x8b: {  	s0 =	sand.u32 $0x1, s1  }
0x8c: {  	s16 =	sshll.u32 s0, $0xA;
	s2 =	sadd.s32 s3, s2  }
0x8d: {  	s2 =	sadd.s32 s2, s16  }
0x8e: {  	[smem:$0x3FB2] =	sst s2  }
0x8f: {  	_ = 	snop  }
0x90: {  	(tm) =	ssettm $0x1  }
0x91: {  	s17 =	sld [smem:$0x3FFB];
	_ =	sdelay $0x3  }
0x92: {  	_ =	strace s17  }
0x93: {  	s2 =	sld [smem:$0x3FFC];
	_ =	sdelay $0x3  }
0x94: {  	_ =	strace s2  }
0x95: {  	s2 =	sld [smem:$0x3FFD];
	_ =	sdelay $0x3  }
0x96: {  	_ =	strace s2  }
0x97: {  	_ =	strace $0x8FFFFFFF  }
0x98: {  	s18 =	sld [smem:$0x3FDB];
	_ =	sdelay $0x1  }
0x99: {  	s19 =	simm.s32 $_scs_section_size  }
0x9a: {  	s4 =	simm.s32 $_size__tile_overlayer_lowered;
	s5 =	simm.s32 $_tile_overlayer_lowered  }
0x9b: {  	s22 =	simm.s32 $0x1BFF;
	s21 =	sshll.u32 s5, $0x1;
	s2 =	sadd.s32 s19, s18  }
0x9c: {  	s6 =	simm.s32 $0x0;
	s20 =	sshll.u32 s4, $0x1;
	s4 =	sadd.s32 s21, s2  }
0x9d: {  	[timem:s6], [sflag:s22] =	dma.local [hbm:s4], s20  }
0x9e: {  	_ =	swait.ge [sflag:s22], s20  }
0x9f: {  	s3 =	ssub.s32 $0x0, s20;
	[sflag:s22] =	ssyncset.done $0x0  }
0xa0: {  	[sflag:s22] =	ssyncadd.s32 s3;
	_ =	sdelay $0x1  }
0xa1: {  	s23 =	simm.s32 $0x1B8B  }
0xa2: {  	_ =	swait.ge [sflag:s23], $0x1  }
0xa3: {  	[sflag:s23] =	ssyncset.done $0x0  }
0xa4: {  	s25 =	simm.s32 $0x1B8E;
	s24 =	sld [smem:$0x3FFE];
	[sflag:s23] =	ssyncadd.s32 $0xFFFFFFFF  }
0xa5: {  	s26 =	simm.s32 $execute0_lowered;
	[smem:$0x3FD2] =	sst s25  }
0xa6: {  	s4 =	sshll.u32 s26, $0x1;
	_ =	strace $0x80000049;
	[dreg:$0x1] =	wrdreg $0xFFFFFFFF  }
0xa7: {  	s28 =	simm.s32 $_size_execute0_lowered;
	s2 =	sadd.s32 s2, s4;
	[dreg:$0x0] =	wrdreg $0x0  }
0xa8: {  	s4 =	sshll.u32 s28, $0x1;
	[dreg:$0x2] =	wrdreg s2  }
0xa9: {  	[dreg:$0x3] =	wrdreg s4  }
0xaa: {  	[dreg:$0x4] =	wrdreg $0xC0  }
0xab: {  	_ =	task [dreg:s6], $0x5FFFF  }
0xac: {  	[dreg:$0x1] =	wrdreg $0xFFFFFFFF  }
0xad: {  	[dreg:$0x0] =	wrdreg $0x60  }
0xae: {  	[dreg:$0x2] =	wrdreg s24  }
0xaf: {  	[dreg:$0x3] =	wrdreg $0x0  }
0xb0: {  	[dreg:$0x4] =	wrdreg $0x9  }
0xb1: {  	_ =	task.clear_ibuf [dreg:s6], $0x5FFFF;
	_ =	strace $0x90000049  }
0xb2: {  	s29 =	simm.s32 $0x9;
	_ =	strace $0x8000004B  }
0xb3: {  	_ =	swait.ge [sflag:s29], $0x1  }
0xb4: {  	[sflag:s29] =	ssyncadd.s32 $0xFFFFFFFF  }
0xb5: {  	_ =	strace $0x9000004B  }
0xb6: {  	_ =	sfence  }
0xb7: {  	s30 =	sld [smem:$0x0];
	_ =	sdelay $0x2  }
0xb8: {  	s31 =	sshll.u32 s1, $0xD;
	s1 =	sshrl.u32 s1, $0x2  }
0xb9: {  	s3 =	sand.u32 $0x4000, s31;
	s1 =	sadd.s32 s1, s30  }
0xba: {  	s0 =	sor.u32 s3, s0;
	s1 =	sshll.u32 s1, $0x11  }
0xbb: {  	s0 =	sor.u32 s1, s0  }
0xbc: {  	s0 =	sadd.s32 $0x8F2B, s0  }
0xbd: {  	[sflag:s0] =	ssyncadd.remote.s32 $0x1  }
0xbe: {  	_ =	sfence.sel $0xFFFF  }
0xbf: {  	[dreg:$0x0] =	wrdreg $0xFFFFFFFF;
	(pc) =	sbr.abs _section_cstart, $3  }
0xc0: {  	[dreg:$0x1] =	wrdreg $0xFFFFFFFF  }
0xc1: {  	_ =	task.clear_ibuf [dreg:s6], $0x2FFFF;
	_ =	strace $0x9FFFFFFF  }
0xc2: {  	(tm) =	ssettm $0x7FFFFFFF  }
0xc3: {  	_ =	shalt  }
tec
execute0_lowered:
.L_overlay_start_1:
0x0: {  	(tag) =	ssettag $0x1  }
0x1: {  	s0 =	rddreg [dreg:$0x0];
	s1 =	srdreg.scid  }
0x2: {  	s2 =	rddreg [dreg:$0x1];
	s10 =	stileid.u32  }
0x3: {  	s3 =	simm.s32 $0x0;
	s28 =	simm.s32 $0x16400;
	s5 =	smul.u32 $0x13C00, s10  }
0x4: {  	s29 =	simm.s32 $0x3;
	s30 =	simm.s32 $0x1;
	s19 =	smul.u32 $0x4F000, s10  }
0x5: {  	s1 =	sand.u32 $0x1, s1;
	s6 =	sadd.s32 $0xD07600, s0;
	s9 =	smul.u32 $0x2710, s10  }
0x6: {  	[smem:$0x7FF] =	sst s3;
	s7 =	sadd.s32 $0xCFD800, s0;
	s4 =	smul.u32 $0x13C000, s1  }
0x7: {  	s31 =	simm.s32 $0x50;
	s13 =	smul.u32 $0x27100, s10;
	_ =	strace $0x8000004A  }
0x8: {  	s8 =	ssub.s32 $0x2, s1;
	s1 =	smul.u32 $0x27100, s1;
	s4 =	sadd.s32 s5, s4  }
0x9: {  	s20 =	sshrl.u32 s19, $0x2;
	s21 =	sshrl.u32 s8, $0x1;
	s4 =	sshrl.u32 s4, $0x3  }
0xa: {  	s13 =	sadd.s32 s6, s13;
	s0 =	sadd.s32 s4, s0;
	s4 =	sadd.s32 s20, s2  }
0xb: {  	s17 =	sadd.s32 $0x50, s9;
	s5 =	ssub.s32 s8, s21;
	s22 =	sadd.s32 $0x2800, s4  }
0xc: {  	s11 =	sadd.s32 s9, s1;
	s23 =	sadd.s32 $0x5000, s4;
	[dreg:$0x3] =	wrdreg s22  }
0xd: {  	s9 =	sadd.s32 $0xA0, s9;
	s24 =	sadd.s32 $0x7800, s4;
	[dreg:$0x4] =	wrdreg s23  }
0xe: {  	s12 =	sshrl.u32 s11, $0x3;
	s25 =	sadd.s32 $0xA000, s4;
	[dreg:$0x5] =	wrdreg s24  }
0xf: {  	s15 =	smax.u32 s5, $0x1;
	s26 =	sadd.s32 $0xC800, s4;
	[dreg:$0x6] =	wrdreg s25  }
0x10: {  	s5 =	simm.s32 $0x2;
	s20 =	sadd.s32 $0xF000, s4;
	[dreg:$0x7] =	wrdreg s26  }
0x11: {  	s12 =	sadd.s32 s7, s12;
	s21 =	sadd.s32 $0x11800, s4;
	[dreg:$0x8] =	wrdreg s20  }
0x12: {  	s14 =	sadd.s32 $0x5200, s0;
	[dreg:$0x9] =	wrdreg s21;
	s22 =	sadd.s32 s1, s17  }
0x13: {  	s1 =	sadd.s32 s1, s9;
	s23 =	sshll.u32 s17, $0x4;
	s24 =	sshll.u32 s9, $0x4  }
0x14: {  	s25 =	sadd.s32 $0x140, s11;
	s26 =	sadd.s32 $0xF0, s11;
	s20 =	sadd.s32 $0x1400, s13  }
0x15: {  	s0 =	sshrl.u32 s22, $0x3;
	s1 =	sshrl.u32 s1, $0x3;
	s17 =	sadd.s32 s6, s23  }
0x16: {  	s19 =	sadd.s32 s6, s24;
	s23 =	simm.s32 $0x13C00;
	s24 =	simm.s32 $0x7  }
0x17: {  	s6 =	simm.s32 $0x6;
	s16 =	sadd.s32 s7, s0;
	s18 =	sadd.s32 s7, s1  }
0x18: {  	s0 =	sshrl.u32 s25, $0x3;
	s1 =	sshrl.u32 s26, $0x3;
	s25 =	simm.s32 $0x18C00  }
0x19: {  	s26 =	simm.s32 $0x18C80;
	s21 =	sadd.s32 s0, s7;
	s22 =	sadd.s32 s1, s7  }
0x1a: {  	v0 =	vimm.f32 $0.0e+00;
	s0 =	simm.s32 $0x5;
	s1 =	simm.s32 $0x4;
	s7 =	simm.s32 $0x0  }
.LBB2_1:
0x1b: {  	s8 =	simm.s32 $0x0;
	s9 =	simm.s32 $0x200  }
.LBB2_2:
0x1c: {  	p0 =	sne.s32 s9, $0x9E00;
	[tilespmem:s8+$0x13C70] =	vst v0  }
0x1d: {  	[tilespmem:s8+$0x13C00] =	vst v0  }
0x1e: {  	[tilespmem:s8+$0x13C10] =	vst v0  }
.Ltmp0:
0x1f: {  	[tilespmem:s8+$0x13C20] =	vst v0;
	(pc) =	sbr.rel @p0 .LBB2_2-.Ltmp0, $4  }
0x20: {  	[tilespmem:s8+$0x13C30] =	vst v0  }
0x21: {  	[tilespmem:s8+$0x13C40] =	vst v0  }
0x22: {  	[tilespmem:s8+$0x13C50] =	vst v0  }
0x23: {  	[tilespmem:s8+$0x13C60] =	vst v0;
	s8 =	sshra.s32 s9, $0x2;
	s9 =	sadd.s32 $0x200, s9  }
0x24: {  	[tilespmem:s8+$0x13C70] =	vst v0  }
0x25: {  	[tilespmem:s8+$0x13C00] =	vst v0  }
0x26: {  	[tilespmem:s8+$0x13C10] =	vst v0  }
0x27: {  	[tilespmem:s8+$0x13C20] =	vst v0  }
0x28: {  	[tilespmem:s8+$0x13C30] =	vst v0  }
0x29: {  	[tilespmem:s8+$0x13C40] =	vst v0  }
0x2a: {  	[tilespmem:s8+$0x13C50] =	vst v0  }
0x2b: {  	[tilespmem:s8+$0x13C60] =	vst v0  }
0x2c: {  	[spmem:s4] =	stream.linear.scatter [tilespmem:s23], [sflag:$0x7], $0x2800, $0x38;
	[tilespmem:$0x18D00] =	vst v63  }
0x2d: {  	_ =	swait.ge [sflag:s24], $0x2800  }
0x2e: {  	[sflag:s24] =	ssyncset.done $0x0  }
0x2f: {  	s10 =	rddreg [dreg:$0x3];
	[sflag:s24] =	ssyncadd.s32 $0xFFFFD800  }
0x30: {  	[spmem:s10] =	stream.linear.scatter [tilespmem:s23], [sflag:$0x7], $0x2800, $0x38;
	[tilespmem:$0x18D00] =	vst v63  }
0x31: {  	_ =	swait.ge [sflag:s24], $0x2800  }
0x32: {  	[sflag:s24] =	ssyncset.done $0x0  }
0x33: {  	s11 =	rddreg [dreg:$0x4];
	[sflag:s24] =	ssyncadd.s32 $0xFFFFD800  }
0x34: {  	[spmem:s11] =	stream.linear.scatter [tilespmem:s23], [sflag:$0x7], $0x2800, $0x38;
	[tilespmem:$0x18D00] =	vst v63  }
0x35: {  	_ =	swait.ge [sflag:s24], $0x2800  }
0x36: {  	[sflag:s24] =	ssyncset.done $0x0  }
0x37: {  	s9 =	rddreg [dreg:$0x5];
	[sflag:s24] =	ssyncadd.s32 $0xFFFFD800  }
0x38: {  	[spmem:s9] =	stream.linear.scatter [tilespmem:s23], [sflag:$0x7], $0x2800, $0x38;
	[tilespmem:$0x18D00] =	vst v63  }
0x39: {  	_ =	swait.ge [sflag:s24], $0x2800  }
0x3a: {  	[sflag:s24] =	ssyncset.done $0x0  }
0x3b: {  	s10 =	rddreg [dreg:$0x6];
	[sflag:s24] =	ssyncadd.s32 $0xFFFFD800  }
0x3c: {  	[spmem:s10] =	stream.linear.scatter [tilespmem:s23], [sflag:$0x7], $0x2800, $0x38;
	[tilespmem:$0x18D00] =	vst v63  }
0x3d: {  	_ =	swait.ge [sflag:s24], $0x2800  }
0x3e: {  	[sflag:s24] =	ssyncset.done $0x0  }
0x3f: {  	s11 =	rddreg [dreg:$0x7];
	[sflag:s24] =	ssyncadd.s32 $0xFFFFD800  }
0x40: {  	[spmem:s11] =	stream.linear.scatter [tilespmem:s23], [sflag:$0x7], $0x2800, $0x38;
	[tilespmem:$0x18D00] =	vst v63  }
0x41: {  	_ =	swait.ge [sflag:s24], $0x2800  }
0x42: {  	[sflag:s24] =	ssyncset.done $0x0  }
0x43: {  	s9 =	rddreg [dreg:$0x8];
	[sflag:s24] =	ssyncadd.s32 $0xFFFFD800  }
0x44: {  	[spmem:s9] =	stream.linear.scatter [tilespmem:s23], [sflag:$0x7], $0x2800, $0x38;
	[tilespmem:$0x18D00] =	vst v63  }
0x45: {  	_ =	swait.ge [sflag:s24], $0x2800  }
0x46: {  	[sflag:s24] =	ssyncset.done $0x0  }
0x47: {  	s10 =	rddreg [dreg:$0x9];
	[sflag:s24] =	ssyncadd.s32 $0xFFFFD800  }
0x48: {  	[spmem:s10] =	stream.linear.scatter [tilespmem:s23], [sflag:$0x7], $0x2400, $0x38;
	[tilespmem:$0x18D00] =	vst v63  }
0x49: {  	_ =	swait.ge [sflag:s24], $0x2400  }
0x4a: {  	[sflag:s24] =	ssyncset.done $0x0  }
0x4b: {  	[sflag:s24] =	ssyncadd.s32 $0xFFFFDC00  }
0x4c: {  	s11 =	simm.s32 $0x0;
	[bflag:$0x0] =	sbarrier.arrive $0xFFFF  }
0x4d: {  	[tilespmem:s25], [sflag:$0x3] =	stream.linear.gather [hbm4b:s12+s11], $0x50, $0x38;
	[tilespmem:$0x18D00] =	vst v63  }
0x4e: {  	_ = 	snop  }
0x4f: {  	[tilespmem:s23], [sflag:$0x1] =	stream.linear.gather [hbm4b:s13+s11], $0x2800, $0x38;
	[tilespmem:$0x18D00] =	vst v63  }
0x50: {  	_ = 	snop  }
0x51: {  	[tilespmem:s26], [sflag:$0x4] =	stream.linear.gather [hbm4b:s16+s11], $0x50, $0x38;
	[tilespmem:$0x18D00] =	vst v63  }
0x52: {  	_ = 	snop  }
0x53: {  	[tilespmem:s28], [sflag:$0x2] =	stream.linear.gather [hbm4b:s17+s11], $0x2800, $0x38;
	[tilespmem:$0x18D00] =	vst v63  }
0x54: {  	_ =	swait.ge [sflag:s29], $0x50  }
0x55: {  	[sflag:s29] =	ssyncset.done $0x0  }
0x56: {  	[sflag:s29] =	ssyncadd.s32 $0xFFFFFFB0  }
0x57: {  	_ =	swait.ge [sflag:s30], $0x2800  }
0x58: {  	[sflag:s30] =	ssyncset.done $0x0  }
0x59: {  	[sflag:s30] =	ssyncadd.s32 $0xFFFFD800  }
0x5a: {  	[spmem:s2] =	stream.indirect.scatter.add.f32 [tilespmem:s23], [sflag:$0x5], $0x80, s25, s31, $0xb8;
	[tilespmem:$0x18D00] =	vst v63  }
0x5b: {  	_ =	swait.ge [sflag:s0], $0x2800  }
0x5c: {  	[sflag:s0] =	ssyncset.done $0x0  }
0x5d: {  	[sflag:s0] =	ssyncadd.s32 $0xFFFFD800  }
0x5e: {  	[tilespmem:s25], [sflag:$0x3] =	stream.linear.gather [hbm4b:s18+s11], $0x50, $0x38;
	[tilespmem:$0x18D00] =	vst v63  }
0x5f: {  	_ = 	snop  }
0x60: {  	[tilespmem:s23], [sflag:$0x1] =	stream.linear.gather [hbm4b:s19+s11], $0x2800, $0x38;
	[tilespmem:$0x18D00] =	vst v63  }
0x61: {  	_ =	swait.ge [sflag:s1], $0x50  }
0x62: {  	[sflag:s1] =	ssyncset.done $0x0  }
0x63: {  	[sflag:s1] =	ssyncadd.s32 $0xFFFFFFB0  }
0x64: {  	_ =	swait.ge [sflag:s5], $0x2800  }
0x65: {  	[sflag:s5] =	ssyncset.done $0x0  }
0x66: {  	[sflag:s5] =	ssyncadd.s32 $0xFFFFD800  }
0x67: {  	[spmem:s2] =	stream.indirect.scatter.add.f32 [tilespmem:s28], [sflag:$0x6], $0x80, s26, s31, $0xb8;
	[tilespmem:$0x18D00] =	vst v63  }
0x68: {  	_ =	swait.ge [sflag:s6], $0x2800  }
0x69: {  	[sflag:s6] =	ssyncset.done $0x0  }
0x6a: {  	s9 =	sadd.s32 $0x0, s22;
	[sflag:s6] =	ssyncadd.s32 $0xFFFFD800  }
0x6b: {  	[tilespmem:s26], [sflag:$0x4] =	stream.linear.gather [hbm4b:s9+s3], $0x50, $0x38;
	[tilespmem:$0x18D00] =	vst v63  }
0x6c: {  	s10 =	sadd.s32 $0xFFFFFB00, s20  }
0x6d: {  	[tilespmem:s28], [sflag:$0x2] =	stream.linear.gather [hbm4b:s10+s3], $0x2800, $0x38;
	[tilespmem:$0x18D00] =	vst v63  }
0x6e: {  	_ =	swait.ge [sflag:s29], $0x50  }
0x6f: {  	[sflag:s29] =	ssyncset.done $0x0  }
0x70: {  	[sflag:s29] =	ssyncadd.s32 $0xFFFFFFB0  }
0x71: {  	_ =	swait.ge [sflag:s30], $0x2800  }
0x72: {  	[sflag:s30] =	ssyncset.done $0x0  }
0x73: {  	[sflag:s30] =	ssyncadd.s32 $0xFFFFD800  }
0x74: {  	[spmem:s2] =	stream.indirect.scatter.add.f32 [tilespmem:s23], [sflag:$0x5], $0x80, s25, s31, $0xb8;
	[tilespmem:$0x18D00] =	vst v63  }
0x75: {  	_ =	swait.ge [sflag:s0], $0x2800  }
0x76: {  	[sflag:s0] =	ssyncset.done $0x0  }
0x77: {  	s11 =	sadd.s32 $0x0, s21;
	[sflag:s0] =	ssyncadd.s32 $0xFFFFD800  }
0x78: {  	[tilespmem:s25], [sflag:$0x3] =	stream.linear.gather [hbm4b:s11+s3], $0x50, $0x38;
	[tilespmem:$0x18D00] =	vst v63  }
0x79: {  	_ = 	snop  }
0x7a: {  	[tilespmem:s23], [sflag:$0x1] =	stream.linear.gather [hbm4b:s20+s3], $0x2800, $0x38;
	[tilespmem:$0x18D00] =	vst v63  }
0x7b: {  	_ =	swait.ge [sflag:s1], $0x50  }
0x7c: {  	[sflag:s1] =	ssyncset.done $0x0  }
0x7d: {  	[sflag:s1] =	ssyncadd.s32 $0xFFFFFFB0  }
0x7e: {  	_ =	swait.ge [sflag:s5], $0x2800  }
0x7f: {  	[sflag:s5] =	ssyncset.done $0x0  }
0x80: {  	s8 =	simm.s32 $0x14;
	s9 =	sadd.s32 $0xA00, s20;
	[sflag:s5] =	ssyncadd.s32 $0xFFFFD800  }
.LBB2_4:
0x81: {  	[spmem:s2] =	stream.indirect.scatter.add.f32 [tilespmem:s28], [sflag:$0x6], $0x80, s26, s31, $0xb8;
	[tilespmem:$0x18D00] =	vst v63  }
0x82: {  	s10 =	smov.u32 s8  }
0x83: {  	p0 =	sne.s32 s8, $0x4B0;
	s8 =	sadd.s32 $0x14, s8;
	_ =	swait.ge [sflag:s6], $0x2800  }
0x84: {  	[sflag:s6] =	ssyncset.done $0x0  }
0x85: {  	s11 =	sadd.s32 s10, s22;
	[sflag:s6] =	ssyncadd.s32 $0xFFFFD800  }
0x86: {  	[tilespmem:s26], [sflag:$0x4] =	stream.linear.gather [hbm4b:s11+s3], $0x50, $0x38;
	[tilespmem:$0x18D00] =	vst v63  }
0x87: {  	s11 =	sadd.s32 $0xFFFFFB00, s9  }
0x88: {  	[tilespmem:s28], [sflag:$0x2] =	stream.linear.gather [hbm4b:s11+s3], $0x2800, $0x38;
	[tilespmem:$0x18D00] =	vst v63  }
0x89: {  	_ =	swait.ge [sflag:s29], $0x50  }
0x8a: {  	[sflag:s29] =	ssyncset.done $0x0  }
0x8b: {  	[sflag:s29] =	ssyncadd.s32 $0xFFFFFFB0  }
0x8c: {  	_ =	swait.ge [sflag:s30], $0x2800  }
0x8d: {  	[sflag:s30] =	ssyncset.done $0x0  }
0x8e: {  	[sflag:s30] =	ssyncadd.s32 $0xFFFFD800  }
0x8f: {  	[spmem:s2] =	stream.indirect.scatter.add.f32 [tilespmem:s23], [sflag:$0x5], $0x80, s25, s31, $0xb8;
	[tilespmem:$0x18D00] =	vst v63  }
0x90: {  	_ =	swait.ge [sflag:s0], $0x2800  }
0x91: {  	[sflag:s0] =	ssyncset.done $0x0  }
0x92: {  	s10 =	sadd.s32 s10, s21;
	[sflag:s0] =	ssyncadd.s32 $0xFFFFD800  }
0x93: {  	[tilespmem:s25], [sflag:$0x3] =	stream.linear.gather [hbm4b:s10+s3], $0x50, $0x38;
	[tilespmem:$0x18D00] =	vst v63  }
0x94: {  	_ = 	snop  }
0x95: {  	[tilespmem:s23], [sflag:$0x1] =	stream.linear.gather [hbm4b:s9+s3], $0x2800, $0x38;
	[tilespmem:$0x18D00] =	vst v63  }
0x96: {  	_ =	swait.ge [sflag:s1], $0x50  }
.Ltmp1:
0x97: {  	[sflag:s1] =	ssyncset.done $0x0;
	(pc) =	sbr.rel @p0 .LBB2_4-.Ltmp1, $4  }
0x98: {  	[sflag:s1] =	ssyncadd.s32 $0xFFFFFFB0  }
0x99: {  	_ =	swait.ge [sflag:s5], $0x2800  }
0x9a: {  	[sflag:s5] =	ssyncset.done $0x0  }
0x9b: {  	s9 =	sadd.s32 $0xA00, s9;
	[sflag:s5] =	ssyncadd.s32 $0xFFFFD800  }
0x9c: {  	[spmem:s2] =	stream.indirect.scatter.add.f32 [tilespmem:s28], [sflag:$0x6], $0x80, s26, s31, $0xb8;
	[tilespmem:$0x18D00] =	vst v63  }
0x9d: {  	_ =	swait.ge [sflag:s29], $0x50  }
0x9e: {  	[sflag:s29] =	ssyncset.done $0x0  }
0x9f: {  	[sflag:s29] =	ssyncadd.s32 $0xFFFFFFB0  }
0xa0: {  	_ =	swait.ge [sflag:s30], $0x2800  }
0xa1: {  	[sflag:s30] =	ssyncset.done $0x0  }
0xa2: {  	[sflag:s30] =	ssyncadd.s32 $0xFFFFD800  }
0xa3: {  	[spmem:s2] =	stream.indirect.scatter.add.f32 [tilespmem:s23], [sflag:$0x5], $0x80, s25, s31, $0xb8;
	[tilespmem:$0x18D00] =	vst v63  }
0xa4: {  	_ =	swait.ge [sflag:s0], $0x2800  }
0xa5: {  	[sflag:s0] =	ssyncset.done $0x0  }
0xa6: {  	[sflag:s0] =	ssyncadd.s32 $0xFFFFD800  }
0xa7: {  	s8 =	stileid.u32;
	_ =	swait.ge [sflag:s6], $0x2800  }
0xa8: {  	s9 =	sshrl.u32 s4, $0x3;
	s7 =	sadd.s32 $0x1, s7;
	[sflag:s6] =	ssyncset.done $0x0  }
0xa9: {  	s8 =	sshll.u32 s8, $0x6;
	p0 =	sne.s32 s7, s15;
	[sflag:s6] =	ssyncadd.s32 $0xFFFFD800  }
.Ltmp2:
0xaa: {  	s8 =	sor.u32 $0x1C07, s8;
	[bflag:$0x0] =	sbarrier.arrive $0xFFFF;
	(pc) =	sbr.rel @p0 .LBB2_1-.Ltmp2, $4  }
0xab: {  	[hbm:s14], [sflag:s8] =	dma.local [spmem:s9], $0x2780  }
0xac: {  	_ =	swait.ge [sflag:s24], $0x2780  }
0xad: {  	[sflag:s24] =	ssyncset.done $0x0  }
0xae: {  	[sflag:s24] =	ssyncadd.s32 $0xFFFFD880  }
0xaf: {  	_ =	sfence.sel $0x180000  }
0xb0: {  	[bflag:$0x0] =	sbarrier.arrive $0xFFFF  }
0xb1: {  	_ =	strace $0x9000004A  }
0xb2: {  	s0 =	stileid.u32;
	[bflag:$0x2] =	sbarrier.arrive $0xFFFF  }
0xb3: {  	p0 =	sne.s32 s0, $0x0;
	s0 =	rddreg [dreg:$0x2]  }
0xb4: {  	s0 =	sadd.s32 @!p0 $0x100000, s0  }
0xb5: {  	[sflag:s0] =	ssyncadd.tile.s32 @!p0 $0x1;
	_ =	shalt  }
.Lfunc_end2:
_tile_overlayer_lowered:
.L_overlay_start_2:
0xb6: {  	(tag) =	ssettag $0x2  }
0xb7: {  	s0 =	rddreg [dreg:$0x0];
	s2 =	stileid.u32  }
0xb8: {  	s1 =	rddreg [dreg:$0x1];
	p0 =	sne.s32 s2, $0x0  }
0xb9: {  	s3 =	rddreg [dreg:$0x2];
	[bflag:$0x3] =	sbarrier.arrive $0xFFFF;
	s2 =	simm.s32 @!p0 $0x1C07  }
0xba: {  	[timem:s3], [sflag:s2] =	dma.local @!p0 [hbm:s0], s1  }
0xbb: {  	s0 =	simm.s32 @!p0 $0x7  }
0xbc: {  	_ =	swait.ge @!p0 [sflag:s0], s1  }
0xbd: {  	s1 =	ssub.s32 @!p0 $0x0, s1;
	[sflag:s0] =	ssyncset.done @!p0 $0x0  }
0xbe: {  	[sflag:s0] =	ssyncadd.s32 @!p0 s1  }
0xbf: {  	[bflag:$0x3] =	sbarrier.arrive $0xFFFF  }
0xc0: {  	_ =	shalt  }

// kernel: kernel.7.cloned.1.call-start
scs
__scs_entry_jumppad:
0x0: {  	(pc) =	sbr.rel $0x88, $3  }
0x1: {  	(tag) =	ssettag $0x0;
	lr =	simm.s32 $0x1  }
0x2: {  	[smem:$0x3F8B] =	sst lr;
	_ =	strace $0xD0000000  }
0x3: {  	_ = 	snop  }
0x4: {  	_ = 	snop  }
0x5: {  	_ = 	snop  }
0x6: {  	_ = 	snop  }
0x7: {  	_ = 	snop  }
__scs_overlays_trampoline_lowered:
0x8: {  	[smem:$0x3F9A] =	sst s0  }
0x9: {  	[smem:$0x3F9B] =	sst s1  }
0xa: {  	[smem:$0x3F9C] =	sst s2  }
0xb: {  	[smem:$0x3F9D] =	sst s3  }
0xc: {  	[smem:$0x3F9E] =	sst s4  }
0xd: {  	[smem:$0x3F9F] =	sst s5  }
0xe: {  	[smem:$0x3FA0] =	sst s6  }
0xf: {  	[smem:$0x3FA1] =	sst s7  }
0x10: {  	[smem:$0x3FA2] =	sst s8  }
0x11: {  	[smem:$0x3FA3] =	sst s9;
	s0 =	simm.s32 @!p0 $0x0  }
0x12: {  	s1 =	sld [smem:$0x3F89];
	s0 =	simm.s32 @p0 $0x1  }
0x13: {  	[smem:$0x3FA4] =	sst s0;
	s0 =	simm.s32 @!p1 $0x0  }
0x14: {  	s2 =	sld [smem:$0x3F88];
	s0 =	simm.s32 @p1 $0x1  }
0x15: {  	[smem:$0x3FA5] =	sst s0;
	s0 =	simm.s32 @!p2 $0x0  }
0x16: {  	s3 =	sld [smem:$0x3FDB];
	s0 =	simm.s32 @p2 $0x1  }
0x17: {  	s4 =	simm.s32 $0x1BF5;
	[smem:$0x3FA7] =	sst s0  }
0x18: {  	s0 =	sld [smem:$0x3F8A];
	_ =	swait.ge [sflag:s4], $0x0  }
0x19: {  	s7 =	sld [smem:$0x3F8B]  }
0x1a: {  	s8 =	sadd.s32 $0xFFFFE003, lr  }
0x1b: {  	s9 =	sadd.s32 $0xFFFFFEF7, lr;
	s5 =	simm.s32 $0xFFFFFFFF;
	p2 =	slt.u32 s8, $0xFFFFF086  }
0x1c: {  	p1 =	slt.u32 s9, $0xF7A;
	s5 =	simm.s32 @!p2 $0x0  }
0x1d: {  	s5 =	simm.s32 @p1 $0x1;
	p0 =	seq.s32 s7, s2  }
0x1e: {  	s7 =	smul.u32 @!p0 $0xF7A, s2;
	p2 =	seq.s32 @!p0 s5, $0x0  }
0x1f: {  	s9 =	smul.u32 $0xF7A, s1;
	s8 =	simm.s32 @!p0 $0x1BF5;
	p2 =	por !p2, p0  }
0x20: {  	[sflag:s8] =	ssyncset.s32 @!p0 $0xFFFFF086;
	s6 =	sadd.s32 @!p0 s3, s7;
	s7 =	simm.s32 @!p0 $0x108  }
0x21: {  	s3 =	sadd.s32 s3, s9;
	s6 =	sadd.s32 @!p0 $0x88, s6;
	s7 =	simm.s32 @p2 $0x1082  }
0x22: {  	[simem:s7], [sflag:s8] =	dma.local @!p0 [hbm:s6], $0xF7A  }
0x23: {  	s9 =	sor.u32 $0xD0000000, s2;
	s6 =	simm.s32 $0x108;
	_ =	swait.ge @!p0 [sflag:s8], $0x0  }
0x24: {  	s3 =	sadd.s32 $0x88, s3;
	s6 =	simm.s32 @!p1 $0x1082;
	[sflag:s4] =	ssyncset.s32 $0xFFFFF086  }
0x25: {  	[simem:s6], [sflag:s4] =	dma.local [hbm:s3], $0xF7A  }
0x26: {  	[smem:$0x3F8B] =	sst s1;
	(tag) =	ssettag s2;
	_ =	strace s9  }
0x27: {  	s1 =	sld [smem:$0x3F9B]  }
0x28: {  	s2 =	sld [smem:$0x3F9C]  }
0x29: {  	s4 =	sld [smem:$0x3F9E]  }
0x2a: {  	p0 =	seq.s32 s5, $0x0;
	s5 =	sld [smem:$0x3F9F]  }
0x2b: {  	s6 =	sld [smem:$0x3FA0]  }
0x2c: {  	s7 =	sld [smem:$0x3FA1]  }
0x2d: {  	s3 =	simm.s32 $0x108;
	s8 =	sld [smem:$0x3FA2]  }
0x2e: {  	s3 =	simm.s32 @!p0 $0x1082;
	s9 =	sld [smem:$0x3FA3]  }
0x2f: {  	lr =	sadd.s32 s0, s3;
	s0 =	sld [smem:$0x3F9A]  }
0x30: {  	s3 =	sld [smem:$0x3F9D]  }
0x31: {  	[smem:$0x3FA6] =	sst s10  }
0x32: {  	s10 =	sld [smem:$0x3FA4];
	_ =	sdelay $0x3  }
0x33: {  	p0 =	seq.s32 s10, $0x1;
	s10 =	sld [smem:$0x3FA6];
	_ =	sdelay $0x3  }
0x34: {  	[smem:$0x3FA6] =	sst s10  }
0x35: {  	s10 =	sld [smem:$0x3FA5];
	_ =	sdelay $0x3  }
0x36: {  	p1 =	seq.s32 s10, $0x1;
	s10 =	sld [smem:$0x3FA6];
	_ =	sdelay $0x3  }
0x37: {  	[smem:$0x3FA6] =	sst s10  }
0x38: {  	s10 =	sld [smem:$0x3FA7]  }
0x39: {  	_ = 	snop;
	(pc) =	sbr.ind lr, $3  }
0x3a: {  	_ = 	snop  }
0x3b: {  	_ = 	snop  }
0x3c: {  	p2 =	seq.s32 s10, $0x1;
	s10 =	sld [smem:$0x3FA6]  }
0x3d: {  	_ =	shalt  }
0x3e: {  	_ =	shalt  }
0x3f: {  	_ =	shalt  }
0x40: {  	_ =	shalt  }
0x41: {  	_ =	shalt  }
0x42: {  	_ =	shalt  }
0x43: {  	_ =	shalt  }
0x44: {  	_ =	shalt  }
0x45: {  	_ =	shalt  }
0x46: {  	_ =	shalt  }
0x47: {  	_ =	shalt  }
0x48: {  	_ =	shalt  }
0x49: {  	_ =	shalt  }
0x4a: {  	_ =	shalt  }
0x4b: {  	_ =	shalt  }
0x4c: {  	_ =	shalt  }
0x4d: {  	_ =	shalt  }
0x4e: {  	_ =	shalt  }
0x4f: {  	_ =	shalt  }
0x50: {  	_ =	shalt  }
0x51: {  	_ =	shalt  }
0x52: {  	_ =	shalt  }
0x53: {  	_ =	shalt  }
0x54: {  	_ =	shalt  }
0x55: {  	_ =	shalt  }
0x56: {  	_ =	shalt  }
0x57: {  	_ =	shalt  }
0x58: {  	_ =	shalt  }
0x59: {  	_ =	shalt  }
0x5a: {  	_ =	shalt  }
0x5b: {  	_ =	shalt  }
0x5c: {  	_ =	shalt  }
0x5d: {  	_ =	shalt  }
0x5e: {  	_ =	shalt  }
0x5f: {  	_ =	shalt  }
0x60: {  	_ =	shalt  }
0x61: {  	_ =	shalt  }
0x62: {  	_ =	shalt  }
0x63: {  	_ =	shalt  }
0x64: {  	_ =	shalt  }
0x65: {  	_ =	shalt  }
0x66: {  	_ =	shalt  }
0x67: {  	_ =	shalt  }
0x68: {  	_ =	shalt  }
0x69: {  	_ =	shalt  }
0x6a: {  	_ =	shalt  }
0x6b: {  	_ =	shalt  }
0x6c: {  	_ =	shalt  }
0x6d: {  	_ =	shalt  }
0x6e: {  	_ =	shalt  }
0x6f: {  	_ =	shalt  }
0x70: {  	_ =	shalt  }
0x71: {  	_ =	shalt  }
0x72: {  	_ =	shalt  }
0x73: {  	_ =	shalt  }
0x74: {  	_ =	shalt  }
0x75: {  	_ =	shalt  }
0x76: {  	_ =	shalt  }
0x77: {  	_ =	shalt  }
0x78: {  	_ =	shalt  }
0x79: {  	_ =	shalt  }
0x7a: {  	_ =	shalt  }
0x7b: {  	_ =	shalt  }
0x7c: {  	_ =	shalt  }
0x7d: {  	_ =	shalt  }
0x7e: {  	_ =	shalt  }
0x7f: {  	_ =	shalt  }
0x80: {  	_ =	shalt  }
0x81: {  	_ =	shalt  }
0x82: {  	_ =	shalt  }
0x83: {  	_ =	shalt  }
0x84: {  	_ =	shalt  }
0x85: {  	_ =	shalt  }
0x86: {  	_ =	shalt  }
0x87: {  	_ =	shalt  }
.Lfunc_end0:
.L_simem_size_0:
called_computation_lowered:
.L_overlay_start_0:
0x88: {  	s2 =	sld [smem:$0x3FD9]  }
0x89: {  	s3 =	sld [smem:$0x3FFE];
	_ =	sdelay $0x1  }
0x8a: {  	s1 =	srdreg.scid  }
0x8b: {  	s0 =	sand.u32 $0x1, s1  }
0x8c: {  	s17 =	sshll.u32 s0, $0xA;
	s2 =	sadd.s32 s3, s2  }
0x8d: {  	s2 =	sadd.s32 s2, s17  }
0x8e: {  	[smem:$0x3FB2] =	sst s2  }
0x8f: {  	_ = 	snop  }
0x90: {  	s2 =	sld [smem:$0x3FC7]  }
0x91: {  	s18 =	sld [smem:$0x3FC6];
	(tm) =	ssettm $0x1  }
0x92: {  	s4 =	sld [smem:$0x3FFB];
	_ =	sdelay $0x3  }
0x93: {  	_ =	strace s4  }
0x94: {  	s4 =	sld [smem:$0x3FFC];
	_ =	sdelay $0x3  }
0x95: {  	_ =	strace s4  }
0x96: {  	s4 =	sld [smem:$0x3FFD];
	_ =	sdelay $0x3  }
0x97: {  	_ =	strace s4  }
0x98: {  	_ =	strace $0x8FFFFFFF  }
0x99: {  	s19 =	sld [smem:$0x3FDB];
	_ =	sdelay $0x1  }
0x9a: {  	s5 =	simm.s32 $_scs_section_size  }
0x9b: {  	s6 =	simm.s32 $_size__tile_overlayer_lowered;
	s7 =	simm.s32 $_tile_overlayer_lowered  }
0x9c: {  	s22 =	simm.s32 $0x1BFF;
	s21 =	sshll.u32 s7, $0x1;
	s4 =	sadd.s32 s5, s19  }
0x9d: {  	s8 =	simm.s32 $0x0;
	s20 =	sshll.u32 s6, $0x1;
	s6 =	sadd.s32 s21, s4  }
0x9e: {  	[timem:s8], [sflag:s22] =	dma.local [hbm:s6], s20  }
0x9f: {  	_ =	swait.ge [sflag:s22], s20  }
0xa0: {  	s5 =	ssub.s32 $0x0, s20;
	[sflag:s22] =	ssyncset.done $0x0  }
0xa1: {  	[sflag:s22] =	ssyncadd.s32 s5;
	_ =	sdelay $0x1  }
0xa2: {  	s23 =	simm.s32 $0x1B8B  }
0xa3: {  	_ =	swait.ge [sflag:s23], $0x1  }
0xa4: {  	[sflag:s23] =	ssyncset.done $0x0  }
0xa5: {  	s25 =	simm.s32 $0x1B8E;
	s24 =	sld [smem:$0x3FFE];
	[sflag:s23] =	ssyncadd.s32 $0xFFFFFFFF  }
0xa6: {  	s26 =	simm.s32 $execute0_lowered;
	[smem:$0x3FD2] =	sst s25  }
0xa7: {  	s6 =	sshll.u32 s26, $0x1;
	_ =	strace $0x80000046;
	[dreg:$0x1] =	wrdreg $0xFFFFFFFF  }
0xa8: {  	s28 =	simm.s32 $_size_execute0_lowered;
	s4 =	sadd.s32 s4, s6;
	[dreg:$0x0] =	wrdreg $0x0  }
0xa9: {  	s6 =	sshll.u32 s28, $0x1;
	[dreg:$0x2] =	wrdreg s4  }
0xaa: {  	[dreg:$0x3] =	wrdreg s6  }
0xab: {  	[dreg:$0x4] =	wrdreg $0xC0  }
0xac: {  	_ =	task [dreg:s8], $0x5FFFF  }
0xad: {  	[dreg:$0x1] =	wrdreg $0xFFFFFFFF  }
0xae: {  	[dreg:$0x0] =	wrdreg $0x60  }
0xaf: {  	[dreg:$0x2] =	wrdreg s24  }
0xb0: {  	[dreg:$0x3] =	wrdreg s2  }
0xb1: {  	[dreg:$0x4] =	wrdreg s18  }
0xb2: {  	[dreg:$0x5] =	wrdreg $0x9  }
0xb3: {  	_ =	task.clear_ibuf [dreg:s8], $0x6FFFF;
	_ =	strace $0x90000046  }
0xb4: {  	s29 =	simm.s32 $0x9;
	_ =	strace $0x80000048  }
0xb5: {  	_ =	swait.ge [sflag:s29], $0x1  }
0xb6: {  	[sflag:s29] =	ssyncadd.s32 $0xFFFFFFFF  }
0xb7: {  	_ =	strace $0x90000048  }
0xb8: {  	_ =	sfence  }
0xb9: {  	s30 =	sld [smem:$0x0];
	_ =	sdelay $0x2  }
0xba: {  	s31 =	sshll.u32 s1, $0xD;
	s1 =	sshrl.u32 s1, $0x2  }
0xbb: {  	s3 =	sand.u32 $0x4000, s31;
	s1 =	sadd.s32 s1, s30  }
0xbc: {  	s0 =	sor.u32 s3, s0;
	s1 =	sshll.u32 s1, $0x11  }
0xbd: {  	s0 =	sor.u32 s1, s0  }
0xbe: {  	s0 =	sadd.s32 $0x8F2B, s0  }
0xbf: {  	[sflag:s0] =	ssyncadd.remote.s32 $0x1  }
0xc0: {  	_ =	sfence.sel $0xFFFF  }
0xc1: {  	[dreg:$0x0] =	wrdreg $0xFFFFFFFF;
	(pc) =	sbr.abs _section_cstart, $3  }
0xc2: {  	[dreg:$0x1] =	wrdreg $0xFFFFFFFF  }
0xc3: {  	_ =	task.clear_ibuf [dreg:s8], $0x2FFFF;
	_ =	strace $0x9FFFFFFF  }
0xc4: {  	(tm) =	ssettm $0x7FFFFFFF  }
0xc5: {  	_ =	shalt  }
tec
execute0_lowered:
.L_overlay_start_1:
0x0: {  	(tag) =	ssettag $0x1  }
0x1: {  	s0 =	rddreg [dreg:$0x0]  }
0x2: {  	s1 =	rddreg [dreg:$0x1]  }
0x3: {  	s3 =	rddreg [dreg:$0x2]  }
0x4: {  	s4 =	simm.s32 $0x0;
	s2 =	srdreg.scid;
	s13 =	stileid.u32  }
0x5: {  	s17 =	simm.s32 $0x80;
	s18 =	simm.s32 $0x180;
	s19 =	simm.s32 $0x3200  }
0x6: {  	s20 =	simm.s32 $0x3A00;
	s21 =	simm.s32 $0x4200;
	s22 =	simm.s32 $0x4A00  }
0x7: {  	s23 =	simm.s32 $0x8200;
	s24 =	simm.s32 $0x8A00;
	s28 =	simm.s32 $0x2A00  }
0x8: {  	s29 =	simm.s32 $0x7A00;
	s30 =	simm.s32 $0x1;
	s31 =	simm.s32 $0x3  }
0x9: {  	[smem:$0x7FF] =	sst s4;
	s2 =	sand.u32 $0x1, s2;
	s5 =	sshll.u32 s13, $0x1  }
0xa: {  	s6 =	sadd.s32 $0x5200, s0;
	_ =	strace $0x80000047;
	[dreg:$0x6] =	wrdreg s17  }
0xb: {  	s9 =	sadd.s32 $0xC8800, s0;
	s12 =	smul.u32 $0x4E200, s13;
	[dreg:$0x7] =	wrdreg s18  }
0xc: {  	s13 =	smul.u32 $0x2710, s13;
	s7 =	sor.u32 s2, s5;
	[dreg:$0x8] =	wrdreg s19  }
0xd: {  	s5 =	sadd.s32 $0x53400, s0;
	s10 =	ssub.s32 $0x2, s2;
	[dreg:$0x9] =	wrdreg s20  }
0xe: {  	s0 =	sadd.s32 $0x5AA800, s0;
	s25 =	smul.u32 $0x27100, s2;
	[dreg:$0xa] =	wrdreg s21  }
0xf: {  	s2 =	smul.u32 $0x1388, s2;
	s17 =	simm.s32 $0x200;
	[dreg:$0xb] =	wrdreg s22  }
0x10: {  	s18 =	simm.s32 $0xA00;
	s19 =	simm.s32 $0x1200;
	[dreg:$0xc] =	wrdreg s23  }
0x11: {  	s20 =	simm.s32 $0x1A00;
	s21 =	simm.s32 $0x2200;
	[dreg:$0xd] =	wrdreg s24  }
0x12: {  	s22 =	simm.s32 $0x5200;
	s23 =	simm.s32 $0x5A00;
	s8 =	smul.u32 $0x1388, s7  }
0x13: {  	s24 =	simm.s32 $0x6200;
	s7 =	smul.u32 $0x138800, s7;
	s2 =	sadd.s32 s2, s13  }
0x14: {  	s8 =	sshrl.u32 s8, $0x3;
	s13 =	sadd.s32 $0x28, s2;
	s2 =	sadd.s32 $0x50, s2  }
0x15: {  	s7 =	sshrl.u32 s7, $0x3;
	s14 =	sadd.s32 s1, s8;
	[dreg:$0x15] =	wrdreg s2  }
0x16: {  	s8 =	sadd.s32 s3, s8;
	s7 =	sadd.s32 $0x26C00, s7;
	[dreg:$0x10] =	wrdreg s14  }
0x17: {  	s11 =	sshrl.u32 s10, $0x1;
	[dreg:$0x11] =	wrdreg s8;
	s26 =	sadd.s32 s9, s7  }
0x18: {  	s10 =	ssub.s32 s10, s11;
	s7 =	sadd.s32 s0, s7;
	[dreg:$0x12] =	wrdreg s26  }
0x19: {  	s15 =	sshrl.u32 s13, $0x3;
	s14 =	smax.u32 s10, $0x1;
	[dreg:$0x13] =	wrdreg s7  }
0x1a: {  	s9 =	sadd.s32 s12, s9;
	s16 =	sadd.s32 s15, s3;
	[dreg:$0x14] =	wrdreg s14  }
0x1b: {  	s0 =	sadd.s32 s12, s0;
	s7 =	sadd.s32 s25, s9;
	[dreg:$0x16] =	wrdreg s16  }
0x1c: {  	s0 =	sadd.s32 s25, s0;
	s16 =	simm.s32 $0x100;
	[dreg:$0x4] =	wrdreg s7  }
0x1d: {  	s25 =	simm.s32 $0x9200;
	s26 =	simm.s32 $0x9A00;
	[dreg:$0x5] =	wrdreg s0  }
0x1e: {  	v2 =	vlaneseq.u32;
	s0 =	sadd.s32 s15, s1;
	s15 =	simm.s32 $0x5;
	[dreg:$0xe] =	wrdreg s25  }
0x1f: {  	vm0 =	vmmov $0xffff;
	v1 =	vshrl.u32 v2, $0x3;
	[dreg:$0xf] =	wrdreg s26;
	s25 =	simm.s32 $0x6A00;
	s26 =	simm.s32 $0x7200  }
0x20: {  	v0 =	vand.u32 $0x7, v2;
	v2 =	vor.u32 $0x8, v2;
	v1 =	vmul.u32 $0x8, v1;
	s7 =	simm.s32 $0x0;
	[dreg:$0x17] =	wrdreg s0;
	s0 =	simm.s32 $0x2  }
.LBB2_1:
0x21: {  	s2 =	rddreg [dreg:$0x10]  }
0x22: {  	[tilespmem:s4], [sflag:$0x5] =	stream.linear.gather [hbm4b:s2+s4], $0x28, $0x38;
	[tilespmem:$0xA200] =	vst v63  }
0x23: {  	_ =	swait.ge [sflag:s15], $0x28  }
0x24: {  	[sflag:s15] =	ssyncset.done $0x0  }
0x25: {  	s14 =	rddreg [dreg:$0x11];
	[sflag:s15] =	ssyncadd.s32 $0xFFFFFFD8  }
0x26: {  	[tilespmem:s16], [sflag:$0x5] =	stream.linear.gather [hbm4b:s14+s4], $0x28, $0x38;
	[tilespmem:$0xA200] =	vst v63  }
0x27: {  	_ =	swait.ge [sflag:s15], $0x28  }
0x28: {  	[sflag:s15] =	ssyncset.done $0x0  }
0x29: {  	[sflag:s15] =	ssyncadd.s32 $0xFFFFFFD8  }
0x2a: {  	v3 =	vld [tilespmem:$0x0];
	_ =	sdelay $0x4  }
0x2b: {  	v4 =	vshll.u32 v3, $0x1  }
0x2c: {  	v3 =	vand.u32 $0x7, v3;
	v4 =	vand.u32 $0xFFFFFFF0, v4  }
0x2d: {  	v3 =	vor.u32 v3, v4  }
0x2e: {  	v4 =	vperm.xlane v3, v0;
	_ =	sdelay $0x1  }
0x2f: {  	v3 =	vperm.xlane v3, v2;
	v4 =	vadd.s32 v1, v4;
	_ =	sdelay $0x1  }
0x30: {  	v3 =	vadd.s32 v1, v3;
	_ =	sdelay $0x2  }
0x31: {  	[tilespmem:s17], [sflag:$0x1] =	stream.indirect_vreg.gather [hbm4b:s5+s4], $0x80, v4, vm0, $0xb8;
	[tilespmem:$0xA200] =	vst v63  }
0x32: {  	_ = 	snop  }
0x33: {  	[tilespmem:s18], [sflag:$0x1] =	stream.indirect_vreg.gather [hbm4b:s5+s4], $0x80, v3, vm0, $0xb8;
	[tilespmem:$0xA200] =	vst v63  }
0x34: {  	v3 =	vld [tilespmem:$0x10];
	_ =	sdelay $0x4  }
0x35: {  	v59 =	vshll.u32 v3, $0x1  }
0x36: {  	v3 =	vand.u32 $0x7, v3;
	v4 =	vand.u32 $0xFFFFFFF0, v59  }
0x37: {  	v3 =	vor.u32 v3, v4  }
0x38: {  	v4 =	vperm.xlane v3, v0;
	_ =	sdelay $0x1  }
0x39: {  	v3 =	vperm.xlane v3, v2;
	v4 =	vadd.s32 v1, v4;
	_ =	sdelay $0x1  }
0x3a: {  	v3 =	vadd.s32 v1, v3;
	_ =	sdelay $0x2  }
0x3b: {  	[tilespmem:s19], [sflag:$0x1] =	stream.indirect_vreg.gather [hbm4b:s5+s4], $0x80, v4, vm0, $0xb8;
	[tilespmem:$0xA200] =	vst v63  }
0x3c: {  	_ = 	snop  }
0x3d: {  	[tilespmem:s20], [sflag:$0x1] =	stream.indirect_vreg.gather [hbm4b:s5+s4], $0x80, v3, vm0, $0xb8;
	[tilespmem:$0xA200] =	vst v63  }
0x3e: {  	v3 =	vld.msk [tilespmem:$0x20], $0xff;
	_ =	sdelay $0x4  }
0x3f: {  	v60 =	vshll.u32 v3, $0x1  }
0x40: {  	v3 =	vand.u32 $0x7, v3;
	v4 =	vand.u32 $0xFFFFFFF0, v60  }
0x41: {  	v3 =	vor.u32 v3, v4  }
0x42: {  	v3 =	vperm.xlane v3, v0;
	_ =	sdelay $0x1  }
0x43: {  	v3 =	vadd.s32 v1, v3;
	_ =	sdelay $0x4  }
0x44: {  	[tilespmem:s21], [sflag:$0x1] =	stream.indirect_vreg.gather [hbm4b:s5+s4], $0x80, v3, vm0, $0xb8;
	[tilespmem:$0xA200] =	vst v63  }
0x45: {  	v3 =	vld [tilespmem:$0x100];
	_ =	sdelay $0x4  }
0x46: {  	v61 =	vshll.u32 v3, $0x1  }
0x47: {  	v3 =	vand.u32 $0x7, v3;
	v4 =	vand.u32 $0xFFFFFFF0, v61  }
0x48: {  	v3 =	vor.u32 v3, v4  }
0x49: {  	v4 =	vperm.xlane v3, v0;
	_ =	sdelay $0x1  }
0x4a: {  	v3 =	vperm.xlane v3, v2;
	v4 =	vadd.s32 v1, v4;
	_ =	sdelay $0x1  }
0x4b: {  	v3 =	vadd.s32 v1, v3;
	_ =	sdelay $0x2  }
0x4c: {  	[tilespmem:s22], [sflag:$0x1] =	stream.indirect_vreg.gather [hbm4b:s6+s4], $0x80, v4, vm0, $0xb8;
	[tilespmem:$0xA200] =	vst v63  }
0x4d: {  	_ = 	snop  }
0x4e: {  	[tilespmem:s23], [sflag:$0x1] =	stream.indirect_vreg.gather [hbm4b:s6+s4], $0x80, v3, vm0, $0xb8;
	[tilespmem:$0xA200] =	vst v63  }
0x4f: {  	v3 =	vld [tilespmem:$0x110];
	_ =	sdelay $0x4  }
0x50: {  	v62 =	vshll.u32 v3, $0x1  }
0x51: {  	v3 =	vand.u32 $0x7, v3;
	v4 =	vand.u32 $0xFFFFFFF0, v62  }
0x52: {  	v3 =	vor.u32 v3, v4  }
0x53: {  	v4 =	vperm.xlane v3, v0;
	_ =	sdelay $0x1  }
0x54: {  	v3 =	vperm.xlane v3, v2;
	v4 =	vadd.s32 v1, v4;
	_ =	sdelay $0x1  }
0x55: {  	v3 =	vadd.s32 v1, v3;
	_ =	sdelay $0x2  }
0x56: {  	[tilespmem:s24], [sflag:$0x1] =	stream.indirect_vreg.gather [hbm4b:s6+s4], $0x80, v4, vm0, $0xb8;
	[tilespmem:$0xA200] =	vst v63  }
0x57: {  	_ = 	snop  }
0x58: {  	[tilespmem:s25], [sflag:$0x1] =	stream.indirect_vreg.gather [hbm4b:s6+s4], $0x80, v3, vm0, $0xb8;
	[tilespmem:$0xA200] =	vst v63  }
0x59: {  	v3 =	vld.msk [tilespmem:$0x120], $0xff;
	_ =	sdelay $0x4  }
0x5a: {  	v63 =	vshll.u32 v3, $0x1  }
0x5b: {  	v3 =	vand.u32 $0x7, v3;
	v4 =	vand.u32 $0xFFFFFFF0, v63  }
0x5c: {  	v3 =	vor.u32 v3, v4  }
0x5d: {  	v3 =	vperm.xlane v3, v0;
	_ =	sdelay $0x1  }
0x5e: {  	v3 =	vadd.s32 v1, v3;
	_ =	sdelay $0x1  }
0x5f: {  	s14 =	rddreg [dreg:$0x17]  }
0x60: {  	s13 =	rddreg [dreg:$0x16]  }
0x61: {  	s11 =	simm.s32 $0x0;
	s12 =	rddreg [dreg:$0x15]  }
0x62: {  	[tilespmem:s26], [sflag:$0x1] =	stream.indirect_vreg.gather [hbm4b:s6+s4], $0x80, v3, vm0, $0xb8;
	[tilespmem:$0xA200] =	vst v63  }
.LBB2_2:
0x63: {  	p0 =	seq.s32 s11, $0x0  }
0x64: {  	s9 =	simm.s32 @!p0 $0x4  }
0x65: {  	_ =	swait.ge @!p0 [sflag:s9], $0x2800  }
0x66: {  	[sflag:s9] =	ssyncset.done @!p0 $0x0  }
0x67: {  	[sflag:s9] =	ssyncadd.s32 @!p0 $0xFFFFD800  }
0x68: {  	_ =	swait.ge @!p0 [sflag:s9], $0x2800  }
0x69: {  	[sflag:s9] =	ssyncset.done @!p0 $0x0  }
0x6a: {  	s10 =	rddreg [dreg:$0x6];
	[sflag:s9] =	ssyncadd.s32 @!p0 $0xFFFFD800  }
0x6b: {  	[tilespmem:s10], [sflag:$0x5] =	stream.linear.gather [hbm4b:s14+s4], $0x28, $0x38;
	[tilespmem:$0xA200] =	vst v63  }
0x6c: {  	_ =	swait.ge [sflag:s15], $0x28  }
0x6d: {  	[sflag:s15] =	ssyncset.done $0x0  }
0x6e: {  	s2 =	rddreg [dreg:$0x7];
	[sflag:s15] =	ssyncadd.s32 $0xFFFFFFD8  }
0x6f: {  	[tilespmem:s2], [sflag:$0x5] =	stream.linear.gather [hbm4b:s13+s4], $0x28, $0x38;
	[tilespmem:$0xA200] =	vst v63  }
0x70: {  	_ =	swait.ge [sflag:s15], $0x28  }
0x71: {  	[sflag:s15] =	ssyncset.done $0x0  }
0x72: {  	[sflag:s15] =	ssyncadd.s32 $0xFFFFFFD8  }
0x73: {  	v3 =	vld [tilespmem:$0x80];
	_ =	sdelay $0x4  }
0x74: {  	v4 =	vshll.u32 v3, $0x1  }
0x75: {  	v3 =	vand.u32 $0x7, v3;
	v4 =	vand.u32 $0xFFFFFFF0, v4  }
0x76: {  	v3 =	vor.u32 v3, v4  }
0x77: {  	v4 =	vperm.xlane v3, v0;
	_ =	sdelay $0x1  }
0x78: {  	v3 =	vperm.xlane v3, v2;
	v4 =	vadd.s32 v1, v4;
	_ =	sdelay $0x1  }
0x79: {  	v3 =	vadd.s32 v1, v3;
	_ =	sdelay $0x2  }
0x7a: {  	[tilespmem:s28], [sflag:$0x2] =	stream.indirect_vreg.gather [hbm4b:s5+s4], $0x80, v4, vm0, $0xb8;
	[tilespmem:$0xA200] =	vst v63  }
0x7b: {  	s8 =	rddreg [dreg:$0x8]  }
0x7c: {  	[tilespmem:s8], [sflag:$0x2] =	stream.indirect_vreg.gather [hbm4b:s5+s4], $0x80, v3, vm0, $0xb8;
	[tilespmem:$0xA200] =	vst v63  }
0x7d: {  	v3 =	vld [tilespmem:$0x90];
	_ =	sdelay $0x4  }
0x7e: {  	v53 =	vshll.u32 v3, $0x1  }
0x7f: {  	v3 =	vand.u32 $0x7, v3;
	v4 =	vand.u32 $0xFFFFFFF0, v53  }
0x80: {  	v3 =	vor.u32 v3, v4  }
0x81: {  	v4 =	vperm.xlane v3, v0;
	_ =	sdelay $0x1  }
0x82: {  	v3 =	vperm.xlane v3, v2;
	v4 =	vadd.s32 v1, v4;
	_ =	sdelay $0x1  }
0x83: {  	v3 =	vadd.s32 v1, v3;
	_ =	sdelay $0x1  }
0x84: {  	s10 =	rddreg [dreg:$0x9]  }
0x85: {  	[tilespmem:s10], [sflag:$0x2] =	stream.indirect_vreg.gather [hbm4b:s5+s4], $0x80, v4, vm0, $0xb8;
	[tilespmem:$0xA200] =	vst v63  }
0x86: {  	s2 =	rddreg [dreg:$0xa]  }
0x87: {  	[tilespmem:s2], [sflag:$0x2] =	stream.indirect_vreg.gather [hbm4b:s5+s4], $0x80, v3, vm0, $0xb8;
	[tilespmem:$0xA200] =	vst v63  }
0x88: {  	v3 =	vld.msk [tilespmem:$0xA0], $0xff;
	_ =	sdelay $0x4  }
0x89: {  	v54 =	vshll.u32 v3, $0x1  }
0x8a: {  	v3 =	vand.u32 $0x7, v3;
	v4 =	vand.u32 $0xFFFFFFF0, v54  }
0x8b: {  	v3 =	vor.u32 v3, v4  }
0x8c: {  	v3 =	vperm.xlane v3, v0;
	_ =	sdelay $0x1  }
0x8d: {  	v3 =	vadd.s32 v1, v3;
	_ =	sdelay $0x3  }
0x8e: {  	s8 =	rddreg [dreg:$0xb]  }
0x8f: {  	[tilespmem:s8], [sflag:$0x2] =	stream.indirect_vreg.gather [hbm4b:s5+s4], $0x80, v3, vm0, $0xb8;
	[tilespmem:$0xA200] =	vst v63  }
0x90: {  	v3 =	vld [tilespmem:$0x180];
	_ =	sdelay $0x4  }
0x91: {  	v55 =	vshll.u32 v3, $0x1  }
0x92: {  	v3 =	vand.u32 $0x7, v3;
	v4 =	vand.u32 $0xFFFFFFF0, v55  }
0x93: {  	v3 =	vor.u32 v3, v4  }
0x94: {  	v4 =	vperm.xlane v3, v0;
	_ =	sdelay $0x1  }
0x95: {  	v3 =	vperm.xlane v3, v2;
	v4 =	vadd.s32 v1, v4;
	_ =	sdelay $0x1  }
0x96: {  	v3 =	vadd.s32 v1, v3;
	_ =	sdelay $0x2  }
0x97: {  	[tilespmem:s29], [sflag:$0x2] =	stream.indirect_vreg.gather [hbm4b:s6+s4], $0x80, v4, vm0, $0xb8;
	[tilespmem:$0xA200] =	vst v63  }
0x98: {  	s10 =	rddreg [dreg:$0xc]  }
0x99: {  	[tilespmem:s10], [sflag:$0x2] =	stream.indirect_vreg.gather [hbm4b:s6+s4], $0x80, v3, vm0, $0xb8;
	[tilespmem:$0xA200] =	vst v63  }
0x9a: {  	v3 =	vld [tilespmem:$0x190];
	_ =	sdelay $0x4  }
0x9b: {  	v56 =	vshll.u32 v3, $0x1  }
0x9c: {  	v3 =	vand.u32 $0x7, v3;
	v4 =	vand.u32 $0xFFFFFFF0, v56  }
0x9d: {  	v3 =	vor.u32 v3, v4  }
0x9e: {  	v4 =	vperm.xlane v3, v0;
	_ =	sdelay $0x1  }
0x9f: {  	v3 =	vperm.xlane v3, v2;
	v4 =	vadd.s32 v1, v4;
	_ =	sdelay $0x1  }
0xa0: {  	v3 =	vadd.s32 v1, v3;
	_ =	sdelay $0x1  }
0xa1: {  	s2 =	rddreg [dreg:$0xd]  }
0xa2: {  	[tilespmem:s2], [sflag:$0x2] =	stream.indirect_vreg.gather [hbm4b:s6+s4], $0x80, v4, vm0, $0xb8;
	[tilespmem:$0xA200] =	vst v63  }
0xa3: {  	s8 =	rddreg [dreg:$0xe]  }
0xa4: {  	[tilespmem:s8], [sflag:$0x2] =	stream.indirect_vreg.gather [hbm4b:s6+s4], $0x80, v3, vm0, $0xb8;
	[tilespmem:$0xA200] =	vst v63  }
0xa5: {  	v3 =	vld.msk [tilespmem:$0x1A0], $0xff;
	_ =	sdelay $0x4  }
0xa6: {  	v57 =	vshll.u32 v3, $0x1  }
0xa7: {  	v3 =	vand.u32 $0x7, v3;
	v4 =	vand.u32 $0xFFFFFFF0, v57  }
0xa8: {  	v3 =	vor.u32 v3, v4  }
0xa9: {  	v3 =	vperm.xlane v3, v0;
	_ =	sdelay $0x1  }
0xaa: {  	v3 =	vadd.s32 v1, v3;
	_ =	sdelay $0x3  }
0xab: {  	s10 =	rddreg [dreg:$0xf]  }
0xac: {  	[tilespmem:s10], [sflag:$0x2] =	stream.indirect_vreg.gather [hbm4b:s6+s4], $0x80, v3, vm0, $0xb8;
	[tilespmem:$0xA200] =	vst v63  }
0xad: {  	_ =	swait.ge [sflag:s30], $0x2800  }
0xae: {  	[sflag:s30] =	ssyncset.done $0x0  }
0xaf: {  	[sflag:s30] =	ssyncadd.s32 $0xFFFFD800  }
0xb0: {  	_ =	swait.ge [sflag:s30], $0x2800  }
0xb1: {  	s2 =	rddreg [dreg:$0x4];
	[sflag:s30] =	ssyncset.done $0x0  }
0xb2: {  	s8 =	rddreg [dreg:$0x5];
	[sflag:s30] =	ssyncadd.s32 $0xFFFFD800;
	s10 =	sadd.s32 s11, s2  }
0xb3: {  	[hbm4b:s10+s4] =	stream.linear.scatter [tilespmem:s17], [sflag:$0x3], $0x2800, $0x38;
	[tilespmem:$0xA200] =	vst v63  }
0xb4: {  	s9 =	sadd.s32 s11, s8  }
0xb5: {  	[hbm4b:s9+s4] =	stream.linear.scatter [tilespmem:s22], [sflag:$0x3], $0x2800, $0x38;
	[tilespmem:$0xA200] =	vst v63  }
0xb6: {  	_ =	swait.ge [sflag:s31], $0x2800  }
0xb7: {  	[sflag:s31] =	ssyncset.done $0x0  }
0xb8: {  	[sflag:s31] =	ssyncadd.s32 $0xFFFFD800  }
0xb9: {  	_ =	swait.ge [sflag:s31], $0x2800  }
0xba: {  	s8 =	sshrl.u32 s12, $0x3;
	[sflag:s31] =	ssyncset.done $0x0  }
0xbb: {  	s2 =	sadd.s32 s1, s8;
	[sflag:s31] =	ssyncadd.s32 $0xFFFFD800  }
0xbc: {  	[tilespmem:s4], [sflag:$0x5] =	stream.linear.gather [hbm4b:s2+s4], $0x28, $0x38;
	[tilespmem:$0xA200] =	vst v63  }
0xbd: {  	_ =	swait.ge [sflag:s15], $0x28  }
0xbe: {  	[sflag:s15] =	ssyncset.done $0x0  }
0xbf: {  	s8 =	sadd.s32 s3, s8;
	[sflag:s15] =	ssyncadd.s32 $0xFFFFFFD8  }
0xc0: {  	[tilespmem:s16], [sflag:$0x5] =	stream.linear.gather [hbm4b:s8+s4], $0x28, $0x38;
	[tilespmem:$0xA200] =	vst v63  }
0xc1: {  	_ =	swait.ge [sflag:s15], $0x28  }
0xc2: {  	[sflag:s15] =	ssyncset.done $0x0  }
0xc3: {  	[sflag:s15] =	ssyncadd.s32 $0xFFFFFFD8  }
0xc4: {  	v3 =	vld [tilespmem:$0x0];
	_ =	sdelay $0x4  }
0xc5: {  	v58 =	vshll.u32 v3, $0x1  }
0xc6: {  	v3 =	vand.u32 $0x7, v3;
	v4 =	vand.u32 $0xFFFFFFF0, v58  }
0xc7: {  	v3 =	vor.u32 v3, v4  }
0xc8: {  	v4 =	vperm.xlane v3, v0;
	_ =	sdelay $0x1  }
0xc9: {  	v3 =	vperm.xlane v3, v2;
	v4 =	vadd.s32 v1, v4;
	_ =	sdelay $0x1  }
0xca: {  	v3 =	vadd.s32 v1, v3;
	_ =	sdelay $0x2  }
0xcb: {  	[tilespmem:s17], [sflag:$0x1] =	stream.indirect_vreg.gather [hbm4b:s5+s4], $0x80, v4, vm0, $0xb8;
	[tilespmem:$0xA200] =	vst v63  }
0xcc: {  	_ = 	snop  }
0xcd: {  	[tilespmem:s18], [sflag:$0x1] =	stream.indirect_vreg.gather [hbm4b:s5+s4], $0x80, v3, vm0, $0xb8;
	[tilespmem:$0xA200] =	vst v63  }
0xce: {  	v3 =	vld [tilespmem:$0x10];
	_ =	sdelay $0x4  }
0xcf: {  	v59 =	vshll.u32 v3, $0x1  }
0xd0: {  	v3 =	vand.u32 $0x7, v3;
	v4 =	vand.u32 $0xFFFFFFF0, v59  }
0xd1: {  	v3 =	vor.u32 v3, v4  }
0xd2: {  	v4 =	vperm.xlane v3, v0;
	_ =	sdelay $0x1  }
0xd3: {  	v3 =	vperm.xlane v3, v2;
	v4 =	vadd.s32 v1, v4;
	_ =	sdelay $0x1  }
0xd4: {  	v3 =	vadd.s32 v1, v3;
	_ =	sdelay $0x2  }
0xd5: {  	[tilespmem:s19], [sflag:$0x1] =	stream.indirect_vreg.gather [hbm4b:s5+s4], $0x80, v4, vm0, $0xb8;
	[tilespmem:$0xA200] =	vst v63  }
0xd6: {  	_ = 	snop  }
0xd7: {  	[tilespmem:s20], [sflag:$0x1] =	stream.indirect_vreg.gather [hbm4b:s5+s4], $0x80, v3, vm0, $0xb8;
	[tilespmem:$0xA200] =	vst v63  }
0xd8: {  	v3 =	vld.msk [tilespmem:$0x20], $0xff;
	_ =	sdelay $0x4  }
0xd9: {  	v60 =	vshll.u32 v3, $0x1  }
0xda: {  	v3 =	vand.u32 $0x7, v3;
	v4 =	vand.u32 $0xFFFFFFF0, v60  }
0xdb: {  	v3 =	vor.u32 v3, v4  }
0xdc: {  	v3 =	vperm.xlane v3, v0;
	_ =	sdelay $0x1  }
0xdd: {  	v3 =	vadd.s32 v1, v3;
	_ =	sdelay $0x4  }
0xde: {  	[tilespmem:s21], [sflag:$0x1] =	stream.indirect_vreg.gather [hbm4b:s5+s4], $0x80, v3, vm0, $0xb8;
	[tilespmem:$0xA200] =	vst v63  }
0xdf: {  	v3 =	vld [tilespmem:$0x100];
	_ =	sdelay $0x4  }
0xe0: {  	v61 =	vshll.u32 v3, $0x1  }
0xe1: {  	v3 =	vand.u32 $0x7, v3;
	v4 =	vand.u32 $0xFFFFFFF0, v61  }
0xe2: {  	v3 =	vor.u32 v3, v4  }
0xe3: {  	v4 =	vperm.xlane v3, v0;
	_ =	sdelay $0x1  }
0xe4: {  	v3 =	vperm.xlane v3, v2;
	v4 =	vadd.s32 v1, v4;
	_ =	sdelay $0x1  }
0xe5: {  	v3 =	vadd.s32 v1, v3;
	_ =	sdelay $0x2  }
0xe6: {  	[tilespmem:s22], [sflag:$0x1] =	stream.indirect_vreg.gather [hbm4b:s6+s4], $0x80, v4, vm0, $0xb8;
	[tilespmem:$0xA200] =	vst v63  }
0xe7: {  	_ = 	snop  }
0xe8: {  	[tilespmem:s23], [sflag:$0x1] =	stream.indirect_vreg.gather [hbm4b:s6+s4], $0x80, v3, vm0, $0xb8;
	[tilespmem:$0xA200] =	vst v63  }
0xe9: {  	v3 =	vld [tilespmem:$0x110];
	_ =	sdelay $0x4  }
0xea: {  	v62 =	vshll.u32 v3, $0x1  }
0xeb: {  	v3 =	vand.u32 $0x7, v3;
	v4 =	vand.u32 $0xFFFFFFF0, v62  }
0xec: {  	v3 =	vor.u32 v3, v4  }
0xed: {  	v4 =	vperm.xlane v3, v0;
	_ =	sdelay $0x1  }
0xee: {  	v3 =	vperm.xlane v3, v2;
	v4 =	vadd.s32 v1, v4;
	_ =	sdelay $0x1  }
0xef: {  	v3 =	vadd.s32 v1, v3;
	_ =	sdelay $0x2  }
0xf0: {  	[tilespmem:s24], [sflag:$0x1] =	stream.indirect_vreg.gather [hbm4b:s6+s4], $0x80, v4, vm0, $0xb8;
	[tilespmem:$0xA200] =	vst v63  }
0xf1: {  	_ = 	snop  }
0xf2: {  	[tilespmem:s25], [sflag:$0x1] =	stream.indirect_vreg.gather [hbm4b:s6+s4], $0x80, v3, vm0, $0xb8;
	[tilespmem:$0xA200] =	vst v63  }
0xf3: {  	v3 =	vld.msk [tilespmem:$0x120], $0xff;
	_ =	sdelay $0x4  }
0xf4: {  	v63 =	vshll.u32 v3, $0x1  }
0xf5: {  	v3 =	vand.u32 $0x7, v3;
	v4 =	vand.u32 $0xFFFFFFF0, v63  }
0xf6: {  	v3 =	vor.u32 v3, v4  }
0xf7: {  	v3 =	vperm.xlane v3, v0;
	_ =	sdelay $0x1  }
0xf8: {  	v3 =	vadd.s32 v1, v3;
	_ =	sdelay $0x4  }
0xf9: {  	[tilespmem:s26], [sflag:$0x1] =	stream.indirect_vreg.gather [hbm4b:s6+s4], $0x80, v3, vm0, $0xb8;
	[tilespmem:$0xA200] =	vst v63  }
0xfa: {  	_ =	swait.ge [sflag:s0], $0x2800  }
0xfb: {  	[sflag:s0] =	ssyncset.done $0x0  }
0xfc: {  	s11 =	sadd.s32 $0xA00, s11;
	[sflag:s0] =	ssyncadd.s32 $0xFFFFD800  }
0xfd: {  	p0 =	sne.s32 s11, $0x26C00;
	_ =	swait.ge [sflag:s0], $0x2800  }
.Ltmp0:
0xfe: {  	[sflag:s0] =	ssyncset.done $0x0;
	(pc) =	sbr.rel @p0 .LBB2_2-.Ltmp0, $4  }
0xff: {  	s14 =	sadd.s32 $0xA, s14;
	s8 =	sadd.s32 $0x500, s10;
	[sflag:s0] =	ssyncadd.s32 $0xFFFFD800  }
0x100: {  	[hbm4b:s8+s4] =	stream.linear.scatter [tilespmem:s28], [sflag:$0x4], $0x2800, $0x38;
	[tilespmem:$0xA200] =	vst v63  }
0x101: {  	s13 =	sadd.s32 $0xA, s13;
	s12 =	sadd.s32 $0x50, s12;
	s10 =	sadd.s32 $0x500, s9  }
0x102: {  	[hbm4b:s10+s4] =	stream.linear.scatter [tilespmem:s29], [sflag:$0x4], $0x2800, $0x38;
	[tilespmem:$0xA200] =	vst v63  }
0x103: {  	_ =	swait.ge [sflag:s30], $0x2800  }
0x104: {  	[sflag:s30] =	ssyncset.done $0x0  }
0x105: {  	[sflag:s30] =	ssyncadd.s32 $0xFFFFD800  }
0x106: {  	_ =	swait.ge [sflag:s30], $0x2800  }
0x107: {  	[sflag:s30] =	ssyncset.done $0x0  }
0x108: {  	s2 =	rddreg [dreg:$0x12];
	[sflag:s30] =	ssyncadd.s32 $0xFFFFD800  }
0x109: {  	[hbm4b:s2+s4] =	stream.linear.scatter [tilespmem:s17], [sflag:$0x3], $0x2800, $0x38;
	[tilespmem:$0xA200] =	vst v63  }
0x10a: {  	s13 =	rddreg [dreg:$0x13]  }
0x10b: {  	[hbm4b:s13+s4] =	stream.linear.scatter [tilespmem:s22], [sflag:$0x3], $0x2800, $0x38;
	[tilespmem:$0xA200] =	vst v63  }
0x10c: {  	_ =	swait.ge [sflag:s31], $0x2800  }
0x10d: {  	[sflag:s31] =	ssyncset.done $0x0  }
0x10e: {  	[sflag:s31] =	ssyncadd.s32 $0xFFFFD800  }
0x10f: {  	_ =	swait.ge [sflag:s31], $0x2800  }
0x110: {  	[sflag:s31] =	ssyncset.done $0x0  }
0x111: {  	s8 =	simm.s32 $0x4;
	[sflag:s31] =	ssyncadd.s32 $0xFFFFD800  }
0x112: {  	_ =	swait.ge [sflag:s8], $0x2800  }
0x113: {  	[sflag:s8] =	ssyncset.done $0x0  }
0x114: {  	[sflag:s8] =	ssyncadd.s32 $0xFFFFD800  }
0x115: {  	_ =	swait.ge [sflag:s8], $0x2800  }
0x116: {  	s7 =	sadd.s32 $0x1, s7;
	s14 =	rddreg [dreg:$0x14]  }
0x117: {  	p0 =	sne.s32 s7, s14  }
.Ltmp1:
0x118: {  	_ = 	snop;
	(pc) =	sbr.rel @p0 .LBB2_1-.Ltmp1, $3  }
0x119: {  	_ =	sdelay $0x1  }
0x11a: {  	[sflag:s8] =	ssyncset.done $0x0  }
0x11b: {  	[sflag:s8] =	ssyncadd.s32 $0xFFFFD800  }
0x11c: {  	_ =	sfence.sel $0x180000  }
0x11d: {  	[bflag:$0x0] =	sbarrier.arrive $0xFFFF  }
0x11e: {  	_ =	strace $0x90000047  }
0x11f: {  	s0 =	stileid.u32;
	[bflag:$0x2] =	sbarrier.arrive $0xFFFF  }
0x120: {  	p0 =	sne.s32 s0, $0x0;
	s0 =	rddreg [dreg:$0x3]  }
0x121: {  	s0 =	sadd.s32 @!p0 $0x100000, s0  }
0x122: {  	[sflag:s0] =	ssyncadd.tile.s32 @!p0 $0x1;
	_ =	shalt  }
.Lfunc_end2:
_tile_overlayer_lowered:
.L_overlay_start_2:
0x123: {  	(tag) =	ssettag $0x2  }
0x124: {  	s0 =	rddreg [dreg:$0x0];
	s2 =	stileid.u32  }
0x125: {  	s1 =	rddreg [dreg:$0x1];
	p0 =	sne.s32 s2, $0x0  }
0x126: {  	s3 =	rddreg [dreg:$0x2];
	[bflag:$0x3] =	sbarrier.arrive $0xFFFF;
	s2 =	simm.s32 @!p0 $0x1C05  }
0x127: {  	[timem:s3], [sflag:s2] =	dma.local @!p0 [hbm:s0], s1  }
0x128: {  	s0 =	simm.s32 @!p0 $0x5  }
0x129: {  	_ =	swait.ge @!p0 [sflag:s0], s1  }
0x12a: {  	s1 =	ssub.s32 @!p0 $0x0, s1;
	[sflag:s0] =	ssyncset.done @!p0 $0x0  }
0x12b: {  	[sflag:s0] =	ssyncadd.s32 @!p0 s1  }
0x12c: {  	[bflag:$0x3] =	sbarrier.arrive $0xFFFF  }
0x12d: {  	_ =	shalt  }

</sc_bundles>
